<compile_context>
chip_gen: v7x
topology: tpu7x:2x2x1
jax: 0.10.2.dev20260603
libtpu: 0.0.44.dev20260713+nightly
codegen_flags: <defaults>
</compile_context>

<pallas_src>
import functools

import jax
import jax.numpy as jnp
from jax import lax
from jax.experimental import pallas as pl
from jax.experimental.pallas import tpu as pltpu
from jax.experimental.pallas import tpu_sc as plsc

TOPK = 30
EPS = 1e-12
C = 128
NEG = -3.0e38
IBIG = 2 ** 30
RBA = 16
RBD = 128


def _chunkmax_body(x_ref, m_ref, x3_ref, *, K, G):
    x = x_ref[...]
    main = x[:, : (G - 1) * C]
    tail = x[:, (G - 1) * C:]
    lane = lax.broadcasted_iota(jnp.int32, (RBA, C), 1)
    tail = jnp.where(lane < K - (G - 1) * C, tail, NEG)
    xr = jnp.concatenate(
        [main.reshape(RBA, G - 1, C), tail.reshape(RBA, 1, C)], axis=1)
    m_ref[...] = jnp.max(xr, axis=2)
    x3_ref[...] = xr.reshape(RBA * G, C)


def _select_body(m_ref, cid_ref, idx_ref, *, B, G, K):
    M = m_ref[...]
    gio = lax.broadcasted_iota(jnp.int32, (B, G), 1)
    cids = []
    for _ in range(TOPK):
        m = jnp.max(M, axis=1, keepdims=True)
        c = jnp.min(jnp.where(M == m, gio, IBIG), axis=1, keepdims=True)
        cids.append(c)
        M = jnp.where(gio == c, NEG, M)
    cid = jnp.concatenate(cids, axis=1)
    cid_ref[...] = cid
    row0 = lax.broadcasted_iota(jnp.int32, (B, TOPK), 0) * G
    idx_ref[...] = row0 + cid


def _extract_body(cand_ref, cid_ref, lab_ref, *, K):
    cand = cand_ref[...]
    cid = cid_ref[...]
    tio = lax.broadcasted_iota(jnp.int32, (TOPK, TOPK * C), 0)
    lt = lax.broadcasted_iota(jnp.int32, (TOPK, TOPK * C), 1) // C
    expand = (tio == lt).astype(jnp.float32)
    base = lax.dot((cid * C).astype(jnp.float32), expand,
                   precision=lax.Precision.HIGHEST)
    modc = (lax.broadcasted_iota(jnp.int32, (1, TOPK * C), 1) & (C - 1)
            ).astype(jnp.float32)
    gidx = base + modc
    labs = []
    for _ in range(TOPK):
        m = jnp.max(cand, axis=1, keepdims=True)
        i = jnp.where(cand == m, gidx, 1e9)
        idx = jnp.min(i, axis=1, keepdims=True)
        labs.append(idx)
        cand = jnp.where(gidx == idx, NEG, cand)
    lab_ref[...] = jnp.concatenate(labs, axis=1).astype(jnp.int32)


def _make_sc_row_gather(table_rows, D, N):
    info = plsc.get_sparse_core_info()
    nc, ns = info.num_cores, info.num_subcores
    nw = nc * ns
    n_per_w = N // nw
    cb = 128 if n_per_w % 128 == 0 else 120
    mesh = plsc.VectorSubcoreMesh(core_axis_name="c", subcore_axis_name="s")

    @functools.partial(
        pl.kernel, mesh=mesh,
        out_type=jax.ShapeDtypeStruct((N, D), jnp.float32),
        scratch_types=[
            pltpu.VMEM((n_per_w,), jnp.int32),
            pltpu.VMEM((n_per_w, D), jnp.float32),
            pltpu.SemaphoreType.DMA,
        ],
    )
    def gather_k(table_hbm, idx_hbm, out_hbm, idx_v, rows_v, sem):
        wid = lax.axis_index("s") * nc + lax.axis_index("c")
        base = wid * n_per_w
        pltpu.sync_copy(idx_hbm.at[pl.ds(base, n_per_w)], idx_v)
        handles = []
        for j in range(n_per_w // cb):
            handles.append(pltpu.async_copy(
                table_hbm.at[idx_v.at[pl.ds(j * cb, cb)]],
                rows_v.at[pl.ds(j * cb, cb)], sem))
        for h in handles:
            h.wait()
        pltpu.sync_copy(rows_v, out_hbm.at[pl.ds(base, n_per_w)])

    return gather_k


def _topk_labels(preds_attr):
    B, K = preds_attr.shape
    G = -(-K // C)
    M, x3 = pl.pallas_call(
        functools.partial(_chunkmax_body, K=K, G=G),
        out_shape=(
            jax.ShapeDtypeStruct((B, G), jnp.float32),
            jax.ShapeDtypeStruct((B * G, C), jnp.float32),
        ),
        grid=(B // RBA,),
        in_specs=[pl.BlockSpec((RBA, G * C), lambda i: (i, 0))],
        out_specs=(
            pl.BlockSpec((RBA, G), lambda i: (i, 0)),
            pl.BlockSpec((RBA * G, C), lambda i: (i, 0)),
        ),
    )(preds_attr)
    cid, cidx = pl.pallas_call(
        functools.partial(_select_body, B=B, G=G, K=K),
        out_shape=(
            jax.ShapeDtypeStruct((B, TOPK), jnp.int32),
            jax.ShapeDtypeStruct((B, TOPK), jnp.int32),
        ),
        grid=(1,),
        in_specs=[pl.BlockSpec((B, G), lambda i: (0, 0))],
        out_specs=(
            pl.BlockSpec((B, TOPK), lambda i: (0, 0)),
            pl.BlockSpec((B, TOPK), lambda i: (0, 0)),
        ),
    )(M)
    cand = _make_sc_row_gather(B * G, C, B * TOPK)(x3, cidx.reshape(B * TOPK))
    cand = cand.reshape(B, TOPK * C)
    return pl.pallas_call(
        functools.partial(_extract_body, K=K),
        out_shape=jax.ShapeDtypeStruct((B, TOPK), jnp.int32),
        grid=(B // RBD,),
        in_specs=[
            pl.BlockSpec((RBD, TOPK * C), lambda i: (i, 0)),
            pl.BlockSpec((RBD, TOPK), lambda i: (i, 0)),
        ],
        out_specs=pl.BlockSpec((RBD, TOPK), lambda i: (i, 0)),
    )(cand, cid)


def _ln_body(x_ref, pos_ref, g_ref, b_ref, o_ref):
    x = x_ref[...] + pos_ref[...]
    mu = jnp.mean(x, axis=-1, keepdims=True)
    var = jnp.mean((x - mu) ** 2, axis=-1, keepdims=True)
    o_ref[...] = (x - mu) * lax.rsqrt(var + EPS) * g_ref[...] + b_ref[...]


def _ln(rows, pos_tiled, ln_gamma, ln_beta):
    N, D = rows.shape
    blk = pos_tiled.shape[0]
    return pl.pallas_call(
        _ln_body,
        out_shape=jax.ShapeDtypeStruct((N, D), jnp.float32),
        grid=(N // blk,),
        in_specs=[
            pl.BlockSpec((blk, D), lambda i: (i, 0)),
            pl.BlockSpec((blk, D), lambda i: (0, 0)),
            pl.BlockSpec((D,), lambda i: (0,)),
            pl.BlockSpec((D,), lambda i: (0,)),
        ],
        out_specs=pl.BlockSpec((blk, D), lambda i: (i, 0)),
    )(rows, pos_tiled, ln_gamma, ln_beta)


def kernel(encoder_hidden_states, preds_attr, word_emb, pos_emb, ln_gamma, ln_beta):
    B = preds_attr.shape[0]
    V, D = word_emb.shape
    labels = _topk_labels(preds_attr)
    idx = labels.reshape(B * TOPK)
    rows = _make_sc_row_gather(V, D, B * TOPK)(word_emb, idx)
    pos_tiled = jnp.tile(pos_emb, (64, 1))
    out = _ln(rows, pos_tiled, ln_gamma, ln_beta)
    return out.reshape(B, TOPK, D), labels

# --- scband reference (transcript-rebuilt; emitter-appended) ---
"""Pipeline reference for scband-semantic-container-17540646437210 (READ-ONLY COPY).

The authoritative reference and input builder live on the scoring server;
editing this copy changes nothing except your own understanding.
"""

import jax, jax.numpy as jnp
import numpy as np

B = 1024
S = 50
K = 100000
TOPK = 30
D = 128
EPS = 1e-12


def setup_inputs(seed: int = 0) -> dict:
    key = jax.random.key(seed)
    k1, k2, k3, k4 = jax.random.split(key, 4)
    encoder_hidden_states = jax.random.normal(k1, (B, S, D), dtype=jnp.float32)
    preds_attr = jax.random.normal(k2, (B, K), dtype=jnp.float32)
    # learned params of NaiveEmbeddings(n_words=K, n_positions=TOPK, dim_hidden=D)
    word_emb = jax.random.normal(k3, (K, D), dtype=jnp.float32) * 0.02
    pos_emb = jax.random.normal(k4, (TOPK, D), dtype=jnp.float32) * 0.02
    ln_gamma = jnp.ones((D,), dtype=jnp.float32)
    ln_beta = jnp.zeros((D,), dtype=jnp.float32)
    return {
        "encoder_hidden_states": encoder_hidden_states,
        "preds_attr": preds_attr,
        "word_emb": word_emb,
        "pos_emb": pos_emb,
        "ln_gamma": ln_gamma,
        "ln_beta": ln_beta,
    }


def _layer_norm(x, gamma, beta, eps):
    mu = jnp.mean(x, axis=-1, keepdims=True)
    var = jnp.mean((x - mu) ** 2, axis=-1, keepdims=True)
    return (x - mu) / jnp.sqrt(var + eps) * gamma + beta


def reference(encoder_hidden_states, preds_attr, word_emb, pos_emb, ln_gamma, ln_beta):
    # semantic_logits is None -> topk over preds_attr along dim=1
    _, semantic_labels = jax.lax.top_k(preds_attr, TOPK)  # [B, TOPK] int32, sorted, largest
    # NaiveEmbeddings: word embedding lookup + positional embedding + LayerNorm
    # (dropout is identity in eval mode)
    embs = jnp.take(word_emb, semantic_labels, axis=0)  # [B, TOPK, D] gather
    embs = embs + pos_emb[None, :, :]
    semantic_embs = _layer_norm(embs, ln_gamma, ln_beta, EPS)
    # use_attr_type has no 'emb' -> latent_topic_flag False -> semantic_hidden_states is None
    return semantic_embs, semantic_labels

if __name__ == "__main__":
    import jax
    _d = setup_inputs()
    print(jax.jit(kernel)(*tuple(_d.values())))

</pallas_src>

<mosaic_0001>
#map = affine_map<(d0, d1) -> (0, 0)>
#map1 = affine_map<(d0, d1) -> (0)>
module attributes {stable_mosaic.version = 14 : i64} {
  func.func @gather_k(%arg0: i32, %arg1: i32, %arg2: memref<800768x128xf32, #tpu.memory_space<hbm>>, %arg3: memref<30720xi32, #tpu.memory_space<hbm>>, %arg4: memref<30720x128xf32, #tpu.memory_space<hbm>>, %arg5: memref<960xi32, #tpu.memory_space<vmem>>, %arg6: memref<960x128xf32, #tpu.memory_space<vmem>>, %arg7: memref<!tpu.dma_semaphore, #tpu.memory_space<semaphore_mem>>) attributes {dimension_semantics = [#tpu.dimension_semantics<core_parallel>, #tpu.dimension_semantics<subcore_parallel>], iteration_bounds = array<i64: 2, 16>, scalar_prefetch = 0 : i64, scratch_operands = 3 : i64, tpu.core_type = #tpu.core_type<sc_vector_subcore>, window_params = [{transform_indices = #map}, {transform_indices = #map1}, {transform_indices = #map}]} {
    %mul3A = arith.constant 2 : i32
    %mul3A_0 = arith.muli %arg1, %mul3A : i32
    %add3A = arith.addi %mul3A_0, %arg0 : i32
    %mul3A_1 = arith.constant 960 : i32
    %mul3A_2 = arith.muli %add3A, %mul3A_1 : i32
    "tpu.region"() ({
      %run_scoped3A = tpu.sem_alloc : memref<!tpu.dma_semaphore, #tpu.memory_space<semaphore_mem>>
      %dma_start3A_129 = tpu.memref_slice %arg3[%mul3A_2] : memref<30720xi32, #tpu.memory_space<hbm>> -> memref<960xi32, #tpu.memory_space<hbm>>
      %dma_start3A_130 = tpu.memref_slice %arg3[%mul3A_2] : memref<30720xi32, #tpu.memory_space<hbm>> -> memref<960xi32, #tpu.memory_space<hbm>>
      tpu.enqueue_dma source(%dma_start3A_130 : memref<960xi32, #tpu.memory_space<hbm>>) target(%arg5 : memref<960xi32, #tpu.memory_space<vmem>>) target_semaphore(%run_scoped3A : memref<!tpu.dma_semaphore, #tpu.memory_space<semaphore_mem>>)
      %dma_wait3A_131 = tpu.memref_slice %arg3[%mul3A_2] : memref<30720xi32, #tpu.memory_space<hbm>> -> memref<960xi32, #tpu.memory_space<hbm>>
      %dma_wait3A_132 = tpu.memref_slice %arg3[%mul3A_2] : memref<30720xi32, #tpu.memory_space<hbm>> -> memref<960xi32, #tpu.memory_space<hbm>>
      tpu.wait_dma2 semaphore(%run_scoped3A : memref<!tpu.dma_semaphore, #tpu.memory_space<semaphore_mem>>) src(%dma_wait3A_132 : memref<960xi32, #tpu.memory_space<hbm>>) dst(%arg5 : memref<960xi32, #tpu.memory_space<vmem>>)
      tpu.yield
    }) : () -> ()
    %dma_start3A = arith.constant 0 : i32
    %dma_start3A_3 = arith.constant 0 : i32
    %dma_start3A_4 = tpu.memref_slice %arg6[%dma_start3A, %dma_start3A_3] : memref<960x128xf32, #tpu.memory_space<vmem>> -> memref<120x128xf32, #tpu.memory_space<vmem>>
    %dma_start3A_5 = arith.constant 0 : i32
    %dma_start3A_6 = tpu.memref_slice %arg5[%dma_start3A_5] : memref<960xi32, #tpu.memory_space<vmem>> -> memref<120xi32, #tpu.memory_space<vmem>>
    %dma_start3A_7 = arith.constant 0 : i32
    %dma_start3A_8 = arith.constant 0 : i32
    %dma_start3A_9 = tpu.memref_slice %arg2[%dma_start3A_7, %dma_start3A_8] : memref<800768x128xf32, #tpu.memory_space<hbm>> -> memref<800768x128xf32, #tpu.memory_space<hbm>>
    tpu.enqueue_indirect_dma source(%dma_start3A_9 : memref<800768x128xf32, #tpu.memory_space<hbm>>) target(%dma_start3A_4 : memref<120x128xf32, #tpu.memory_space<vmem>>) offsets(%dma_start3A_6 : memref<120xi32, #tpu.memory_space<vmem>>) semaphore(%arg7 : memref<!tpu.dma_semaphore, #tpu.memory_space<semaphore_mem>>)
    %dma_start3A_10 = arith.constant 120 : i32
    %dma_start3A_11 = arith.constant 0 : i32
    %dma_start3A_12 = tpu.memref_slice %arg6[%dma_start3A_10, %dma_start3A_11] : memref<960x128xf32, #tpu.memory_space<vmem>> -> memref<120x128xf32, #tpu.memory_space<vmem>>
    %dma_start3A_13 = arith.constant 120 : i32
    %dma_start3A_14 = tpu.memref_slice %arg5[%dma_start3A_13] : memref<960xi32, #tpu.memory_space<vmem>> -> memref<120xi32, #tpu.memory_space<vmem>>
    %dma_start3A_15 = arith.constant 0 : i32
    %dma_start3A_16 = arith.constant 0 : i32
    %dma_start3A_17 = tpu.memref_slice %arg2[%dma_start3A_15, %dma_start3A_16] : memref<800768x128xf32, #tpu.memory_space<hbm>> -> memref<800768x128xf32, #tpu.memory_space<hbm>>
    tpu.enqueue_indirect_dma source(%dma_start3A_17 : memref<800768x128xf32, #tpu.memory_space<hbm>>) target(%dma_start3A_12 : memref<120x128xf32, #tpu.memory_space<vmem>>) offsets(%dma_start3A_14 : memref<120xi32, #tpu.memory_space<vmem>>) semaphore(%arg7 : memref<!tpu.dma_semaphore, #tpu.memory_space<semaphore_mem>>)
    %dma_start3A_18 = arith.constant 240 : i32
    %dma_start3A_19 = arith.constant 0 : i32
    %dma_start3A_20 = tpu.memref_slice %arg6[%dma_start3A_18, %dma_start3A_19] : memref<960x128xf32, #tpu.memory_space<vmem>> -> memref<120x128xf32, #tpu.memory_space<vmem>>
    %dma_start3A_21 = arith.constant 240 : i32
    %dma_start3A_22 = tpu.memref_slice %arg5[%dma_start3A_21] : memref<960xi32, #tpu.memory_space<vmem>> -> memref<120xi32, #tpu.memory_space<vmem>>
    %dma_start3A_23 = arith.constant 0 : i32
    %dma_start3A_24 = arith.constant 0 : i32
    %dma_start3A_25 = tpu.memref_slice %arg2[%dma_start3A_23, %dma_start3A_24] : memref<800768x128xf32, #tpu.memory_space<hbm>> -> memref<800768x128xf32, #tpu.memory_space<hbm>>
    tpu.enqueue_indirect_dma source(%dma_start3A_25 : memref<800768x128xf32, #tpu.memory_space<hbm>>) target(%dma_start3A_20 : memref<120x128xf32, #tpu.memory_space<vmem>>) offsets(%dma_start3A_22 : memref<120xi32, #tpu.memory_space<vmem>>) semaphore(%arg7 : memref<!tpu.dma_semaphore, #tpu.memory_space<semaphore_mem>>)
    %dma_start3A_26 = arith.constant 360 : i32
    %dma_start3A_27 = arith.constant 0 : i32
    %dma_start3A_28 = tpu.memref_slice %arg6[%dma_start3A_26, %dma_start3A_27] : memref<960x128xf32, #tpu.memory_space<vmem>> -> memref<120x128xf32, #tpu.memory_space<vmem>>
    %dma_start3A_29 = arith.constant 360 : i32
    %dma_start3A_30 = tpu.memref_slice %arg5[%dma_start3A_29] : memref<960xi32, #tpu.memory_space<vmem>> -> memref<120xi32, #tpu.memory_space<vmem>>
    %dma_start3A_31 = arith.constant 0 : i32
    %dma_start3A_32 = arith.constant 0 : i32
    %dma_start3A_33 = tpu.memref_slice %arg2[%dma_start3A_31, %dma_start3A_32] : memref<800768x128xf32, #tpu.memory_space<hbm>> -> memref<800768x128xf32, #tpu.memory_space<hbm>>
    tpu.enqueue_indirect_dma source(%dma_start3A_33 : memref<800768x128xf32, #tpu.memory_space<hbm>>) target(%dma_start3A_28 : memref<120x128xf32, #tpu.memory_space<vmem>>) offsets(%dma_start3A_30 : memref<120xi32, #tpu.memory_space<vmem>>) semaphore(%arg7 : memref<!tpu.dma_semaphore, #tpu.memory_space<semaphore_mem>>)
    %dma_start3A_34 = arith.constant 480 : i32
    %dma_start3A_35 = arith.constant 0 : i32
    %dma_start3A_36 = tpu.memref_slice %arg6[%dma_start3A_34, %dma_start3A_35] : memref<960x128xf32, #tpu.memory_space<vmem>> -> memref<120x128xf32, #tpu.memory_space<vmem>>
    %dma_start3A_37 = arith.constant 480 : i32
    %dma_start3A_38 = tpu.memref_slice %arg5[%dma_start3A_37] : memref<960xi32, #tpu.memory_space<vmem>> -> memref<120xi32, #tpu.memory_space<vmem>>
    %dma_start3A_39 = arith.constant 0 : i32
    %dma_start3A_40 = arith.constant 0 : i32
    %dma_start3A_41 = tpu.memref_slice %arg2[%dma_start3A_39, %dma_start3A_40] : memref<800768x128xf32, #tpu.memory_space<hbm>> -> memref<800768x128xf32, #tpu.memory_space<hbm>>
    tpu.enqueue_indirect_dma source(%dma_start3A_41 : memref<800768x128xf32, #tpu.memory_space<hbm>>) target(%dma_start3A_36 : memref<120x128xf32, #tpu.memory_space<vmem>>) offsets(%dma_start3A_38 : memref<120xi32, #tpu.memory_space<vmem>>) semaphore(%arg7 : memref<!tpu.dma_semaphore, #tpu.memory_space<semaphore_mem>>)
    %dma_start3A_42 = arith.constant 600 : i32
    %dma_start3A_43 = arith.constant 0 : i32
    %dma_start3A_44 = tpu.memref_slice %arg6[%dma_start3A_42, %dma_start3A_43] : memref<960x128xf32, #tpu.memory_space<vmem>> -> memref<120x128xf32, #tpu.memory_space<vmem>>
    %dma_start3A_45 = arith.constant 600 : i32
    %dma_start3A_46 = tpu.memref_slice %arg5[%dma_start3A_45] : memref<960xi32, #tpu.memory_space<vmem>> -> memref<120xi32, #tpu.memory_space<vmem>>
    %dma_start3A_47 = arith.constant 0 : i32
    %dma_start3A_48 = arith.constant 0 : i32
    %dma_start3A_49 = tpu.memref_slice %arg2[%dma_start3A_47, %dma_start3A_48] : memref<800768x128xf32, #tpu.memory_space<hbm>> -> memref<800768x128xf32, #tpu.memory_space<hbm>>
    tpu.enqueue_indirect_dma source(%dma_start3A_49 : memref<800768x128xf32, #tpu.memory_space<hbm>>) target(%dma_start3A_44 : memref<120x128xf32, #tpu.memory_space<vmem>>) offsets(%dma_start3A_46 : memref<120xi32, #tpu.memory_space<vmem>>) semaphore(%arg7 : memref<!tpu.dma_semaphore, #tpu.memory_space<semaphore_mem>>)
    %dma_start3A_50 = arith.constant 720 : i32
    %dma_start3A_51 = arith.constant 0 : i32
    %dma_start3A_52 = tpu.memref_slice %arg6[%dma_start3A_50, %dma_start3A_51] : memref<960x128xf32, #tpu.memory_space<vmem>> -> memref<120x128xf32, #tpu.memory_space<vmem>>
    %dma_start3A_53 = arith.constant 720 : i32
    %dma_start3A_54 = tpu.memref_slice %arg5[%dma_start3A_53] : memref<960xi32, #tpu.memory_space<vmem>> -> memref<120xi32, #tpu.memory_space<vmem>>
    %dma_start3A_55 = arith.constant 0 : i32
    %dma_start3A_56 = arith.constant 0 : i32
    %dma_start3A_57 = tpu.memref_slice %arg2[%dma_start3A_55, %dma_start3A_56] : memref<800768x128xf32, #tpu.memory_space<hbm>> -> memref<800768x128xf32, #tpu.memory_space<hbm>>
    tpu.enqueue_indirect_dma source(%dma_start3A_57 : memref<800768x128xf32, #tpu.memory_space<hbm>>) target(%dma_start3A_52 : memref<120x128xf32, #tpu.memory_space<vmem>>) offsets(%dma_start3A_54 : memref<120xi32, #tpu.memory_space<vmem>>) semaphore(%arg7 : memref<!tpu.dma_semaphore, #tpu.memory_space<semaphore_mem>>)
    %dma_start3A_58 = arith.constant 840 : i32
    %dma_start3A_59 = arith.constant 0 : i32
    %dma_start3A_60 = tpu.memref_slice %arg6[%dma_start3A_58, %dma_start3A_59] : memref<960x128xf32, #tpu.memory_space<vmem>> -> memref<120x128xf32, #tpu.memory_space<vmem>>
    %dma_start3A_61 = arith.constant 840 : i32
    %dma_start3A_62 = tpu.memref_slice %arg5[%dma_start3A_61] : memref<960xi32, #tpu.memory_space<vmem>> -> memref<120xi32, #tpu.memory_space<vmem>>
    %dma_start3A_63 = arith.constant 0 : i32
    %dma_start3A_64 = arith.constant 0 : i32
    %dma_start3A_65 = tpu.memref_slice %arg2[%dma_start3A_63, %dma_start3A_64] : memref<800768x128xf32, #tpu.memory_space<hbm>> -> memref<800768x128xf32, #tpu.memory_space<hbm>>
    tpu.enqueue_indirect_dma source(%dma_start3A_65 : memref<800768x128xf32, #tpu.memory_space<hbm>>) target(%dma_start3A_60 : memref<120x128xf32, #tpu.memory_space<vmem>>) offsets(%dma_start3A_62 : memref<120xi32, #tpu.memory_space<vmem>>) semaphore(%arg7 : memref<!tpu.dma_semaphore, #tpu.memory_space<semaphore_mem>>)
    %dma_wait3A = arith.constant 0 : i32
    %dma_wait3A_66 = arith.constant 0 : i32
    %dma_wait3A_67 = tpu.memref_slice %arg6[%dma_wait3A, %dma_wait3A_66] : memref<960x128xf32, #tpu.memory_space<vmem>> -> memref<120x128xf32, #tpu.memory_space<vmem>>
    %dma_wait3A_68 = arith.constant 0 : i32
    %dma_wait3A_69 = tpu.memref_slice %arg5[%dma_wait3A_68] : memref<960xi32, #tpu.memory_space<vmem>> -> memref<120xi32, #tpu.memory_space<vmem>>
    %dma_wait3A_70 = arith.constant 0 : i32
    %dma_wait3A_71 = arith.constant 0 : i32
    %dma_wait3A_72 = tpu.memref_slice %arg2[%dma_wait3A_70, %dma_wait3A_71] : memref<800768x128xf32, #tpu.memory_space<hbm>> -> memref<800768x128xf32, #tpu.memory_space<hbm>>
    tpu.wait_indirect_dma semaphore(%arg7 : memref<!tpu.dma_semaphore, #tpu.memory_space<semaphore_mem>>) src(%dma_wait3A_72 : memref<800768x128xf32, #tpu.memory_space<hbm>>) dst(%dma_wait3A_67 : memref<120x128xf32, #tpu.memory_space<vmem>>)
    %dma_wait3A_73 = arith.constant 120 : i32
    %dma_wait3A_74 = arith.constant 0 : i32
    %dma_wait3A_75 = tpu.memref_slice %arg6[%dma_wait3A_73, %dma_wait3A_74] : memref<960x128xf32, #tpu.memory_space<vmem>> -> memref<120x128xf32, #tpu.memory_space<vmem>>
    %dma_wait3A_76 = arith.constant 120 : i32
    %dma_wait3A_77 = tpu.memref_slice %arg5[%dma_wait3A_76] : memref<960xi32, #tpu.memory_space<vmem>> -> memref<120xi32, #tpu.memory_space<vmem>>
    %dma_wait3A_78 = arith.constant 0 : i32
    %dma_wait3A_79 = arith.constant 0 : i32
    %dma_wait3A_80 = tpu.memref_slice %arg2[%dma_wait3A_78, %dma_wait3A_79] : memref<800768x128xf32, #tpu.memory_space<hbm>> -> memref<800768x128xf32, #tpu.memory_space<hbm>>
    tpu.wait_indirect_dma semaphore(%arg7 : memref<!tpu.dma_semaphore, #tpu.memory_space<semaphore_mem>>) src(%dma_wait3A_80 : memref<800768x128xf32, #tpu.memory_space<hbm>>) dst(%dma_wait3A_75 : memref<120x128xf32, #tpu.memory_space<vmem>>)
    %dma_wait3A_81 = arith.constant 240 : i32
    %dma_wait3A_82 = arith.constant 0 : i32
    %dma_wait3A_83 = tpu.memref_slice %arg6[%dma_wait3A_81, %dma_wait3A_82] : memref<960x128xf32, #tpu.memory_space<vmem>> -> memref<120x128xf32, #tpu.memory_space<vmem>>
    %dma_wait3A_84 = arith.constant 240 : i32
    %dma_wait3A_85 = tpu.memref_slice %arg5[%dma_wait3A_84] : memref<960xi32, #tpu.memory_space<vmem>> -> memref<120xi32, #tpu.memory_space<vmem>>
    %dma_wait3A_86 = arith.constant 0 : i32
    %dma_wait3A_87 = arith.constant 0 : i32
    %dma_wait3A_88 = tpu.memref_slice %arg2[%dma_wait3A_86, %dma_wait3A_87] : memref<800768x128xf32, #tpu.memory_space<hbm>> -> memref<800768x128xf32, #tpu.memory_space<hbm>>
    tpu.wait_indirect_dma semaphore(%arg7 : memref<!tpu.dma_semaphore, #tpu.memory_space<semaphore_mem>>) src(%dma_wait3A_88 : memref<800768x128xf32, #tpu.memory_space<hbm>>) dst(%dma_wait3A_83 : memref<120x128xf32, #tpu.memory_space<vmem>>)
    %dma_wait3A_89 = arith.constant 360 : i32
    %dma_wait3A_90 = arith.constant 0 : i32
    %dma_wait3A_91 = tpu.memref_slice %arg6[%dma_wait3A_89, %dma_wait3A_90] : memref<960x128xf32, #tpu.memory_space<vmem>> -> memref<120x128xf32, #tpu.memory_space<vmem>>
    %dma_wait3A_92 = arith.constant 360 : i32
    %dma_wait3A_93 = tpu.memref_slice %arg5[%dma_wait3A_92] : memref<960xi32, #tpu.memory_space<vmem>> -> memref<120xi32, #tpu.memory_space<vmem>>
    %dma_wait3A_94 = arith.constant 0 : i32
    %dma_wait3A_95 = arith.constant 0 : i32
    %dma_wait3A_96 = tpu.memref_slice %arg2[%dma_wait3A_94, %dma_wait3A_95] : memref<800768x128xf32, #tpu.memory_space<hbm>> -> memref<800768x128xf32, #tpu.memory_space<hbm>>
    tpu.wait_indirect_dma semaphore(%arg7 : memref<!tpu.dma_semaphore, #tpu.memory_space<semaphore_mem>>) src(%dma_wait3A_96 : memref<800768x128xf32, #tpu.memory_space<hbm>>) dst(%dma_wait3A_91 : memref<120x128xf32, #tpu.memory_space<vmem>>)
    %dma_wait3A_97 = arith.constant 480 : i32
    %dma_wait3A_98 = arith.constant 0 : i32
    %dma_wait3A_99 = tpu.memref_slice %arg6[%dma_wait3A_97, %dma_wait3A_98] : memref<960x128xf32, #tpu.memory_space<vmem>> -> memref<120x128xf32, #tpu.memory_space<vmem>>
    %dma_wait3A_100 = arith.constant 480 : i32
    %dma_wait3A_101 = tpu.memref_slice %arg5[%dma_wait3A_100] : memref<960xi32, #tpu.memory_space<vmem>> -> memref<120xi32, #tpu.memory_space<vmem>>
    %dma_wait3A_102 = arith.constant 0 : i32
    %dma_wait3A_103 = arith.constant 0 : i32
    %dma_wait3A_104 = tpu.memref_slice %arg2[%dma_wait3A_102, %dma_wait3A_103] : memref<800768x128xf32, #tpu.memory_space<hbm>> -> memref<800768x128xf32, #tpu.memory_space<hbm>>
    tpu.wait_indirect_dma semaphore(%arg7 : memref<!tpu.dma_semaphore, #tpu.memory_space<semaphore_mem>>) src(%dma_wait3A_104 : memref<800768x128xf32, #tpu.memory_space<hbm>>) dst(%dma_wait3A_99 : memref<120x128xf32, #tpu.memory_space<vmem>>)
    %dma_wait3A_105 = arith.constant 600 : i32
    %dma_wait3A_106 = arith.constant 0 : i32
    %dma_wait3A_107 = tpu.memref_slice %arg6[%dma_wait3A_105, %dma_wait3A_106] : memref<960x128xf32, #tpu.memory_space<vmem>> -> memref<120x128xf32, #tpu.memory_space<vmem>>
    %dma_wait3A_108 = arith.constant 600 : i32
    %dma_wait3A_109 = tpu.memref_slice %arg5[%dma_wait3A_108] : memref<960xi32, #tpu.memory_space<vmem>> -> memref<120xi32, #tpu.memory_space<vmem>>
    %dma_wait3A_110 = arith.constant 0 : i32
    %dma_wait3A_111 = arith.constant 0 : i32
    %dma_wait3A_112 = tpu.memref_slice %arg2[%dma_wait3A_110, %dma_wait3A_111] : memref<800768x128xf32, #tpu.memory_space<hbm>> -> memref<800768x128xf32, #tpu.memory_space<hbm>>
    tpu.wait_indirect_dma semaphore(%arg7 : memref<!tpu.dma_semaphore, #tpu.memory_space<semaphore_mem>>) src(%dma_wait3A_112 : memref<800768x128xf32, #tpu.memory_space<hbm>>) dst(%dma_wait3A_107 : memref<120x128xf32, #tpu.memory_space<vmem>>)
    %dma_wait3A_113 = arith.constant 720 : i32
    %dma_wait3A_114 = arith.constant 0 : i32
    %dma_wait3A_115 = tpu.memref_slice %arg6[%dma_wait3A_113, %dma_wait3A_114] : memref<960x128xf32, #tpu.memory_space<vmem>> -> memref<120x128xf32, #tpu.memory_space<vmem>>
    %dma_wait3A_116 = arith.constant 720 : i32
    %dma_wait3A_117 = tpu.memref_slice %arg5[%dma_wait3A_116] : memref<960xi32, #tpu.memory_space<vmem>> -> memref<120xi32, #tpu.memory_space<vmem>>
    %dma_wait3A_118 = arith.constant 0 : i32
    %dma_wait3A_119 = arith.constant 0 : i32
    %dma_wait3A_120 = tpu.memref_slice %arg2[%dma_wait3A_118, %dma_wait3A_119] : memref<800768x128xf32, #tpu.memory_space<hbm>> -> memref<800768x128xf32, #tpu.memory_space<hbm>>
    tpu.wait_indirect_dma semaphore(%arg7 : memref<!tpu.dma_semaphore, #tpu.memory_space<semaphore_mem>>) src(%dma_wait3A_120 : memref<800768x128xf32, #tpu.memory_space<hbm>>) dst(%dma_wait3A_115 : memref<120x128xf32, #tpu.memory_space<vmem>>)
    %dma_wait3A_121 = arith.constant 840 : i32
    %dma_wait3A_122 = arith.constant 0 : i32
    %dma_wait3A_123 = tpu.memref_slice %arg6[%dma_wait3A_121, %dma_wait3A_122] : memref<960x128xf32, #tpu.memory_space<vmem>> -> memref<120x128xf32, #tpu.memory_space<vmem>>
    %dma_wait3A_124 = arith.constant 840 : i32
    %dma_wait3A_125 = tpu.memref_slice %arg5[%dma_wait3A_124] : memref<960xi32, #tpu.memory_space<vmem>> -> memref<120xi32, #tpu.memory_space<vmem>>
    %dma_wait3A_126 = arith.constant 0 : i32
    %dma_wait3A_127 = arith.constant 0 : i32
    %dma_wait3A_128 = tpu.memref_slice %arg2[%dma_wait3A_126, %dma_wait3A_127] : memref<800768x128xf32, #tpu.memory_space<hbm>> -> memref<800768x128xf32, #tpu.memory_space<hbm>>
    tpu.wait_indirect_dma semaphore(%arg7 : memref<!tpu.dma_semaphore, #tpu.memory_space<semaphore_mem>>) src(%dma_wait3A_128 : memref<800768x128xf32, #tpu.memory_space<hbm>>) dst(%dma_wait3A_123 : memref<120x128xf32, #tpu.memory_space<vmem>>)
    "tpu.region"() ({
      %run_scoped3A = tpu.sem_alloc : memref<!tpu.dma_semaphore, #tpu.memory_space<semaphore_mem>>
      %dma_start3A_129 = arith.constant 0 : i32
      %dma_start3A_130 = tpu.memref_slice %arg4[%mul3A_2, %dma_start3A_129] : memref<30720x128xf32, #tpu.memory_space<hbm>> -> memref<960x128xf32, #tpu.memory_space<hbm>>
      %dma_start3A_131 = arith.constant 0 : i32
      %dma_start3A_132 = tpu.memref_slice %arg4[%mul3A_2, %dma_start3A_131] : memref<30720x128xf32, #tpu.memory_space<hbm>> -> memref<960x128xf32, #tpu.memory_space<hbm>>
      tpu.enqueue_dma source(%arg6 : memref<960x128xf32, #tpu.memory_space<vmem>>) target(%dma_start3A_132 : memref<960x128xf32, #tpu.memory_space<hbm>>) target_semaphore(%run_scoped3A : memref<!tpu.dma_semaphore, #tpu.memory_space<semaphore_mem>>)
      %dma_wait3A_133 = arith.constant 0 : i32
      %dma_wait3A_134 = tpu.memref_slice %arg4[%mul3A_2, %dma_wait3A_133] : memref<30720x128xf32, #tpu.memory_space<hbm>> -> memref<960x128xf32, #tpu.memory_space<hbm>>
      %dma_wait3A_135 = arith.constant 0 : i32
      %dma_wait3A_136 = tpu.memref_slice %arg4[%mul3A_2, %dma_wait3A_135] : memref<30720x128xf32, #tpu.memory_space<hbm>> -> memref<960x128xf32, #tpu.memory_space<hbm>>
      tpu.wait_dma2 semaphore(%run_scoped3A : memref<!tpu.dma_semaphore, #tpu.memory_space<semaphore_mem>>) src(%arg6 : memref<960x128xf32, #tpu.memory_space<vmem>>) dst(%dma_wait3A_136 : memref<960x128xf32, #tpu.memory_space<hbm>>)
      tpu.yield
    }) : () -> ()
    return
  }
}

#map = affine_map<(d0, d1) -> (0, 0)>
#map1 = affine_map<(d0, d1) -> (0)>
module attributes {stable_mosaic.version = 14 : i64} {
  func.func @gather_k(%arg0: i32, %arg1: i32, %arg2: memref<100000x128xf32, #tpu.memory_space<hbm>>, %arg3: memref<30720xi32, #tpu.memory_space<hbm>>, %arg4: memref<30720x128xf32, #tpu.memory_space<hbm>>, %arg5: memref<960xi32, #tpu.memory_space<vmem>>, %arg6: memref<960x128xf32, #tpu.memory_space<vmem>>, %arg7: memref<!tpu.dma_semaphore, #tpu.memory_space<semaphore_mem>>) attributes {dimension_semantics = [#tpu.dimension_semantics<core_parallel>, #tpu.dimension_semantics<subcore_parallel>], iteration_bounds = array<i64: 2, 16>, scalar_prefetch = 0 : i64, scratch_operands = 3 : i64, tpu.core_type = #tpu.core_type<sc_vector_subcore>, window_params = [{transform_indices = #map}, {transform_indices = #map1}, {transform_indices = #map}]} {
    %mul3A = arith.constant 2 : i32
    %mul3A_0 = arith.muli %arg1, %mul3A : i32
    %add3A = arith.addi %mul3A_0, %arg0 : i32
    %mul3A_1 = arith.constant 960 : i32
    %mul3A_2 = arith.muli %add3A, %mul3A_1 : i32
    "tpu.region"() ({
      %run_scoped3A = tpu.sem_alloc : memref<!tpu.dma_semaphore, #tpu.memory_space<semaphore_mem>>
      %dma_start3A_129 = tpu.memref_slice %arg3[%mul3A_2] : memref<30720xi32, #tpu.memory_space<hbm>> -> memref<960xi32, #tpu.memory_space<hbm>>
      %dma_start3A_130 = tpu.memref_slice %arg3[%mul3A_2] : memref<30720xi32, #tpu.memory_space<hbm>> -> memref<960xi32, #tpu.memory_space<hbm>>
      tpu.enqueue_dma source(%dma_start3A_130 : memref<960xi32, #tpu.memory_space<hbm>>) target(%arg5 : memref<960xi32, #tpu.memory_space<vmem>>) target_semaphore(%run_scoped3A : memref<!tpu.dma_semaphore, #tpu.memory_space<semaphore_mem>>)
      %dma_wait3A_131 = tpu.memref_slice %arg3[%mul3A_2] : memref<30720xi32, #tpu.memory_space<hbm>> -> memref<960xi32, #tpu.memory_space<hbm>>
      %dma_wait3A_132 = tpu.memref_slice %arg3[%mul3A_2] : memref<30720xi32, #tpu.memory_space<hbm>> -> memref<960xi32, #tpu.memory_space<hbm>>
      tpu.wait_dma2 semaphore(%run_scoped3A : memref<!tpu.dma_semaphore, #tpu.memory_space<semaphore_mem>>) src(%dma_wait3A_132 : memref<960xi32, #tpu.memory_space<hbm>>) dst(%arg5 : memref<960xi32, #tpu.memory_space<vmem>>)
      tpu.yield
    }) : () -> ()
    %dma_start3A = arith.constant 0 : i32
    %dma_start3A_3 = arith.constant 0 : i32
    %dma_start3A_4 = tpu.memref_slice %arg6[%dma_start3A, %dma_start3A_3] : memref<960x128xf32, #tpu.memory_space<vmem>> -> memref<120x128xf32, #tpu.memory_space<vmem>>
    %dma_start3A_5 = arith.constant 0 : i32
    %dma_start3A_6 = tpu.memref_slice %arg5[%dma_start3A_5] : memref<960xi32, #tpu.memory_space<vmem>> -> memref<120xi32, #tpu.memory_space<vmem>>
    %dma_start3A_7 = arith.constant 0 : i32
    %dma_start3A_8 = arith.constant 0 : i32
    %dma_start3A_9 = tpu.memref_slice %arg2[%dma_start3A_7, %dma_start3A_8] : memref<100000x128xf32, #tpu.memory_space<hbm>> -> memref<100000x128xf32, #tpu.memory_space<hbm>>
    tpu.enqueue_indirect_dma source(%dma_start3A_9 : memref<100000x128xf32, #tpu.memory_space<hbm>>) target(%dma_start3A_4 : memref<120x128xf32, #tpu.memory_space<vmem>>) offsets(%dma_start3A_6 : memref<120xi32, #tpu.memory_space<vmem>>) semaphore(%arg7 : memref<!tpu.dma_semaphore, #tpu.memory_space<semaphore_mem>>)
    %dma_start3A_10 = arith.constant 120 : i32
    %dma_start3A_11 = arith.constant 0 : i32
    %dma_start3A_12 = tpu.memref_slice %arg6[%dma_start3A_10, %dma_start3A_11] : memref<960x128xf32, #tpu.memory_space<vmem>> -> memref<120x128xf32, #tpu.memory_space<vmem>>
    %dma_start3A_13 = arith.constant 120 : i32
    %dma_start3A_14 = tpu.memref_slice %arg5[%dma_start3A_13] : memref<960xi32, #tpu.memory_space<vmem>> -> memref<120xi32, #tpu.memory_space<vmem>>
    %dma_start3A_15 = arith.constant 0 : i32
    %dma_start3A_16 = arith.constant 0 : i32
    %dma_start3A_17 = tpu.memref_slice %arg2[%dma_start3A_15, %dma_start3A_16] : memref<100000x128xf32, #tpu.memory_space<hbm>> -> memref<100000x128xf32, #tpu.memory_space<hbm>>
    tpu.enqueue_indirect_dma source(%dma_start3A_17 : memref<100000x128xf32, #tpu.memory_space<hbm>>) target(%dma_start3A_12 : memref<120x128xf32, #tpu.memory_space<vmem>>) offsets(%dma_start3A_14 : memref<120xi32, #tpu.memory_space<vmem>>) semaphore(%arg7 : memref<!tpu.dma_semaphore, #tpu.memory_space<semaphore_mem>>)
    %dma_start3A_18 = arith.constant 240 : i32
    %dma_start3A_19 = arith.constant 0 : i32
    %dma_start3A_20 = tpu.memref_slice %arg6[%dma_start3A_18, %dma_start3A_19] : memref<960x128xf32, #tpu.memory_space<vmem>> -> memref<120x128xf32, #tpu.memory_space<vmem>>
    %dma_start3A_21 = arith.constant 240 : i32
    %dma_start3A_22 = tpu.memref_slice %arg5[%dma_start3A_21] : memref<960xi32, #tpu.memory_space<vmem>> -> memref<120xi32, #tpu.memory_space<vmem>>
    %dma_start3A_23 = arith.constant 0 : i32
    %dma_start3A_24 = arith.constant 0 : i32
    %dma_start3A_25 = tpu.memref_slice %arg2[%dma_start3A_23, %dma_start3A_24] : memref<100000x128xf32, #tpu.memory_space<hbm>> -> memref<100000x128xf32, #tpu.memory_space<hbm>>
    tpu.enqueue_indirect_dma source(%dma_start3A_25 : memref<100000x128xf32, #tpu.memory_space<hbm>>) target(%dma_start3A_20 : memref<120x128xf32, #tpu.memory_space<vmem>>) offsets(%dma_start3A_22 : memref<120xi32, #tpu.memory_space<vmem>>) semaphore(%arg7 : memref<!tpu.dma_semaphore, #tpu.memory_space<semaphore_mem>>)
    %dma_start3A_26 = arith.constant 360 : i32
    %dma_start3A_27 = arith.constant 0 : i32
    %dma_start3A_28 = tpu.memref_slice %arg6[%dma_start3A_26, %dma_start3A_27] : memref<960x128xf32, #tpu.memory_space<vmem>> -> memref<120x128xf32, #tpu.memory_space<vmem>>
    %dma_start3A_29 = arith.constant 360 : i32
    %dma_start3A_30 = tpu.memref_slice %arg5[%dma_start3A_29] : memref<960xi32, #tpu.memory_space<vmem>> -> memref<120xi32, #tpu.memory_space<vmem>>
    %dma_start3A_31 = arith.constant 0 : i32
    %dma_start3A_32 = arith.constant 0 : i32
    %dma_start3A_33 = tpu.memref_slice %arg2[%dma_start3A_31, %dma_start3A_32] : memref<100000x128xf32, #tpu.memory_space<hbm>> -> memref<100000x128xf32, #tpu.memory_space<hbm>>
    tpu.enqueue_indirect_dma source(%dma_start3A_33 : memref<100000x128xf32, #tpu.memory_space<hbm>>) target(%dma_start3A_28 : memref<120x128xf32, #tpu.memory_space<vmem>>) offsets(%dma_start3A_30 : memref<120xi32, #tpu.memory_space<vmem>>) semaphore(%arg7 : memref<!tpu.dma_semaphore, #tpu.memory_space<semaphore_mem>>)
    %dma_start3A_34 = arith.constant 480 : i32
    %dma_start3A_35 = arith.constant 0 : i32
    %dma_start3A_36 = tpu.memref_slice %arg6[%dma_start3A_34, %dma_start3A_35] : memref<960x128xf32, #tpu.memory_space<vmem>> -> memref<120x128xf32, #tpu.memory_space<vmem>>
    %dma_start3A_37 = arith.constant 480 : i32
    %dma_start3A_38 = tpu.memref_slice %arg5[%dma_start3A_37] : memref<960xi32, #tpu.memory_space<vmem>> -> memref<120xi32, #tpu.memory_space<vmem>>
    %dma_start3A_39 = arith.constant 0 : i32
    %dma_start3A_40 = arith.constant 0 : i32
    %dma_start3A_41 = tpu.memref_slice %arg2[%dma_start3A_39, %dma_start3A_40] : memref<100000x128xf32, #tpu.memory_space<hbm>> -> memref<100000x128xf32, #tpu.memory_space<hbm>>
    tpu.enqueue_indirect_dma source(%dma_start3A_41 : memref<100000x128xf32, #tpu.memory_space<hbm>>) target(%dma_start3A_36 : memref<120x128xf32, #tpu.memory_space<vmem>>) offsets(%dma_start3A_38 : memref<120xi32, #tpu.memory_space<vmem>>) semaphore(%arg7 : memref<!tpu.dma_semaphore, #tpu.memory_space<semaphore_mem>>)
    %dma_start3A_42 = arith.constant 600 : i32
    %dma_start3A_43 = arith.constant 0 : i32
    %dma_start3A_44 = tpu.memref_slice %arg6[%dma_start3A_42, %dma_start3A_43] : memref<960x128xf32, #tpu.memory_space<vmem>> -> memref<120x128xf32, #tpu.memory_space<vmem>>
    %dma_start3A_45 = arith.constant 600 : i32
    %dma_start3A_46 = tpu.memref_slice %arg5[%dma_start3A_45] : memref<960xi32, #tpu.memory_space<vmem>> -> memref<120xi32, #tpu.memory_space<vmem>>
    %dma_start3A_47 = arith.constant 0 : i32
    %dma_start3A_48 = arith.constant 0 : i32
    %dma_start3A_49 = tpu.memref_slice %arg2[%dma_start3A_47, %dma_start3A_48] : memref<100000x128xf32, #tpu.memory_space<hbm>> -> memref<100000x128xf32, #tpu.memory_space<hbm>>
    tpu.enqueue_indirect_dma source(%dma_start3A_49 : memref<100000x128xf32, #tpu.memory_space<hbm>>) target(%dma_start3A_44 : memref<120x128xf32, #tpu.memory_space<vmem>>) offsets(%dma_start3A_46 : memref<120xi32, #tpu.memory_space<vmem>>) semaphore(%arg7 : memref<!tpu.dma_semaphore, #tpu.memory_space<semaphore_mem>>)
    %dma_start3A_50 = arith.constant 720 : i32
    %dma_start3A_51 = arith.constant 0 : i32
    %dma_start3A_52 = tpu.memref_slice %arg6[%dma_start3A_50, %dma_start3A_51] : memref<960x128xf32, #tpu.memory_space<vmem>> -> memref<120x128xf32, #tpu.memory_space<vmem>>
    %dma_start3A_53 = arith.constant 720 : i32
    %dma_start3A_54 = tpu.memref_slice %arg5[%dma_start3A_53] : memref<960xi32, #tpu.memory_space<vmem>> -> memref<120xi32, #tpu.memory_space<vmem>>
    %dma_start3A_55 = arith.constant 0 : i32
    %dma_start3A_56 = arith.constant 0 : i32
    %dma_start3A_57 = tpu.memref_slice %arg2[%dma_start3A_55, %dma_start3A_56] : memref<100000x128xf32, #tpu.memory_space<hbm>> -> memref<100000x128xf32, #tpu.memory_space<hbm>>
    tpu.enqueue_indirect_dma source(%dma_start3A_57 : memref<100000x128xf32, #tpu.memory_space<hbm>>) target(%dma_start3A_52 : memref<120x128xf32, #tpu.memory_space<vmem>>) offsets(%dma_start3A_54 : memref<120xi32, #tpu.memory_space<vmem>>) semaphore(%arg7 : memref<!tpu.dma_semaphore, #tpu.memory_space<semaphore_mem>>)
    %dma_start3A_58 = arith.constant 840 : i32
    %dma_start3A_59 = arith.constant 0 : i32
    %dma_start3A_60 = tpu.memref_slice %arg6[%dma_start3A_58, %dma_start3A_59] : memref<960x128xf32, #tpu.memory_space<vmem>> -> memref<120x128xf32, #tpu.memory_space<vmem>>
    %dma_start3A_61 = arith.constant 840 : i32
    %dma_start3A_62 = tpu.memref_slice %arg5[%dma_start3A_61] : memref<960xi32, #tpu.memory_space<vmem>> -> memref<120xi32, #tpu.memory_space<vmem>>
    %dma_start3A_63 = arith.constant 0 : i32
    %dma_start3A_64 = arith.constant 0 : i32
    %dma_start3A_65 = tpu.memref_slice %arg2[%dma_start3A_63, %dma_start3A_64] : memref<100000x128xf32, #tpu.memory_space<hbm>> -> memref<100000x128xf32, #tpu.memory_space<hbm>>
    tpu.enqueue_indirect_dma source(%dma_start3A_65 : memref<100000x128xf32, #tpu.memory_space<hbm>>) target(%dma_start3A_60 : memref<120x128xf32, #tpu.memory_space<vmem>>) offsets(%dma_start3A_62 : memref<120xi32, #tpu.memory_space<vmem>>) semaphore(%arg7 : memref<!tpu.dma_semaphore, #tpu.memory_space<semaphore_mem>>)
    %dma_wait3A = arith.constant 0 : i32
    %dma_wait3A_66 = arith.constant 0 : i32
    %dma_wait3A_67 = tpu.memref_slice %arg6[%dma_wait3A, %dma_wait3A_66] : memref<960x128xf32, #tpu.memory_space<vmem>> -> memref<120x128xf32, #tpu.memory_space<vmem>>
    %dma_wait3A_68 = arith.constant 0 : i32
    %dma_wait3A_69 = tpu.memref_slice %arg5[%dma_wait3A_68] : memref<960xi32, #tpu.memory_space<vmem>> -> memref<120xi32, #tpu.memory_space<vmem>>
    %dma_wait3A_70 = arith.constant 0 : i32
    %dma_wait3A_71 = arith.constant 0 : i32
    %dma_wait3A_72 = tpu.memref_slice %arg2[%dma_wait3A_70, %dma_wait3A_71] : memref<100000x128xf32, #tpu.memory_space<hbm>> -> memref<100000x128xf32, #tpu.memory_space<hbm>>
    tpu.wait_indirect_dma semaphore(%arg7 : memref<!tpu.dma_semaphore, #tpu.memory_space<semaphore_mem>>) src(%dma_wait3A_72 : memref<100000x128xf32, #tpu.memory_space<hbm>>) dst(%dma_wait3A_67 : memref<120x128xf32, #tpu.memory_space<vmem>>)
    %dma_wait3A_73 = arith.constant 120 : i32
    %dma_wait3A_74 = arith.constant 0 : i32
    %dma_wait3A_75 = tpu.memref_slice %arg6[%dma_wait3A_73, %dma_wait3A_74] : memref<960x128xf32, #tpu.memory_space<vmem>> -> memref<120x128xf32, #tpu.memory_space<vmem>>
    %dma_wait3A_76 = arith.constant 120 : i32
    %dma_wait3A_77 = tpu.memref_slice %arg5[%dma_wait3A_76] : memref<960xi32, #tpu.memory_space<vmem>> -> memref<120xi32, #tpu.memory_space<vmem>>
    %dma_wait3A_78 = arith.constant 0 : i32
    %dma_wait3A_79 = arith.constant 0 : i32
    %dma_wait3A_80 = tpu.memref_slice %arg2[%dma_wait3A_78, %dma_wait3A_79] : memref<100000x128xf32, #tpu.memory_space<hbm>> -> memref<100000x128xf32, #tpu.memory_space<hbm>>
    tpu.wait_indirect_dma semaphore(%arg7 : memref<!tpu.dma_semaphore, #tpu.memory_space<semaphore_mem>>) src(%dma_wait3A_80 : memref<100000x128xf32, #tpu.memory_space<hbm>>) dst(%dma_wait3A_75 : memref<120x128xf32, #tpu.memory_space<vmem>>)
    %dma_wait3A_81 = arith.constant 240 : i32
    %dma_wait3A_82 = arith.constant 0 : i32
    %dma_wait3A_83 = tpu.memref_slice %arg6[%dma_wait3A_81, %dma_wait3A_82] : memref<960x128xf32, #tpu.memory_space<vmem>> -> memref<120x128xf32, #tpu.memory_space<vmem>>
    %dma_wait3A_84 = arith.constant 240 : i32
    %dma_wait3A_85 = tpu.memref_slice %arg5[%dma_wait3A_84] : memref<960xi32, #tpu.memory_space<vmem>> -> memref<120xi32, #tpu.memory_space<vmem>>
    %dma_wait3A_86 = arith.constant 0 : i32
    %dma_wait3A_87 = arith.constant 0 : i32
    %dma_wait3A_88 = tpu.memref_slice %arg2[%dma_wait3A_86, %dma_wait3A_87] : memref<100000x128xf32, #tpu.memory_space<hbm>> -> memref<100000x128xf32, #tpu.memory_space<hbm>>
    tpu.wait_indirect_dma semaphore(%arg7 : memref<!tpu.dma_semaphore, #tpu.memory_space<semaphore_mem>>) src(%dma_wait3A_88 : memref<100000x128xf32, #tpu.memory_space<hbm>>) dst(%dma_wait3A_83 : memref<120x128xf32, #tpu.memory_space<vmem>>)
    %dma_wait3A_89 = arith.constant 360 : i32
    %dma_wait3A_90 = arith.constant 0 : i32
    %dma_wait3A_91 = tpu.memref_slice %arg6[%dma_wait3A_89, %dma_wait3A_90] : memref<960x128xf32, #tpu.memory_space<vmem>> -> memref<120x128xf32, #tpu.memory_space<vmem>>
    %dma_wait3A_92 = arith.constant 360 : i32
    %dma_wait3A_93 = tpu.memref_slice %arg5[%dma_wait3A_92] : memref<960xi32, #tpu.memory_space<vmem>> -> memref<120xi32, #tpu.memory_space<vmem>>
    %dma_wait3A_94 = arith.constant 0 : i32
    %dma_wait3A_95 = arith.constant 0 : i32
    %dma_wait3A_96 = tpu.memref_slice %arg2[%dma_wait3A_94, %dma_wait3A_95] : memref<100000x128xf32, #tpu.memory_space<hbm>> -> memref<100000x128xf32, #tpu.memory_space<hbm>>
    tpu.wait_indirect_dma semaphore(%arg7 : memref<!tpu.dma_semaphore, #tpu.memory_space<semaphore_mem>>) src(%dma_wait3A_96 : memref<100000x128xf32, #tpu.memory_space<hbm>>) dst(%dma_wait3A_91 : memref<120x128xf32, #tpu.memory_space<vmem>>)
    %dma_wait3A_97 = arith.constant 480 : i32
    %dma_wait3A_98 = arith.constant 0 : i32
    %dma_wait3A_99 = tpu.memref_slice %arg6[%dma_wait3A_97, %dma_wait3A_98] : memref<960x128xf32, #tpu.memory_space<vmem>> -> memref<120x128xf32, #tpu.memory_space<vmem>>
    %dma_wait3A_100 = arith.constant 480 : i32
    %dma_wait3A_101 = tpu.memref_slice %arg5[%dma_wait3A_100] : memref<960xi32, #tpu.memory_space<vmem>> -> memref<120xi32, #tpu.memory_space<vmem>>
    %dma_wait3A_102 = arith.constant 0 : i32
    %dma_wait3A_103 = arith.constant 0 : i32
    %dma_wait3A_104 = tpu.memref_slice %arg2[%dma_wait3A_102, %dma_wait3A_103] : memref<100000x128xf32, #tpu.memory_space<hbm>> -> memref<100000x128xf32, #tpu.memory_space<hbm>>
    tpu.wait_indirect_dma semaphore(%arg7 : memref<!tpu.dma_semaphore, #tpu.memory_space<semaphore_mem>>) src(%dma_wait3A_104 : memref<100000x128xf32, #tpu.memory_space<hbm>>) dst(%dma_wait3A_99 : memref<120x128xf32, #tpu.memory_space<vmem>>)
    %dma_wait3A_105 = arith.constant 600 : i32
    %dma_wait3A_106 = arith.constant 0 : i32
    %dma_wait3A_107 = tpu.memref_slice %arg6[%dma_wait3A_105, %dma_wait3A_106] : memref<960x128xf32, #tpu.memory_space<vmem>> -> memref<120x128xf32, #tpu.memory_space<vmem>>
    %dma_wait3A_108 = arith.constant 600 : i32
    %dma_wait3A_109 = tpu.memref_slice %arg5[%dma_wait3A_108] : memref<960xi32, #tpu.memory_space<vmem>> -> memref<120xi32, #tpu.memory_space<vmem>>
    %dma_wait3A_110 = arith.constant 0 : i32
    %dma_wait3A_111 = arith.constant 0 : i32
    %dma_wait3A_112 = tpu.memref_slice %arg2[%dma_wait3A_110, %dma_wait3A_111] : memref<100000x128xf32, #tpu.memory_space<hbm>> -> memref<100000x128xf32, #tpu.memory_space<hbm>>
    tpu.wait_indirect_dma semaphore(%arg7 : memref<!tpu.dma_semaphore, #tpu.memory_space<semaphore_mem>>) src(%dma_wait3A_112 : memref<100000x128xf32, #tpu.memory_space<hbm>>) dst(%dma_wait3A_107 : memref<120x128xf32, #tpu.memory_space<vmem>>)
    %dma_wait3A_113 = arith.constant 720 : i32
    %dma_wait3A_114 = arith.constant 0 : i32
    %dma_wait3A_115 = tpu.memref_slice %arg6[%dma_wait3A_113, %dma_wait3A_114] : memref<960x128xf32, #tpu.memory_space<vmem>> -> memref<120x128xf32, #tpu.memory_space<vmem>>
    %dma_wait3A_116 = arith.constant 720 : i32
    %dma_wait3A_117 = tpu.memref_slice %arg5[%dma_wait3A_116] : memref<960xi32, #tpu.memory_space<vmem>> -> memref<120xi32, #tpu.memory_space<vmem>>
    %dma_wait3A_118 = arith.constant 0 : i32
    %dma_wait3A_119 = arith.constant 0 : i32
    %dma_wait3A_120 = tpu.memref_slice %arg2[%dma_wait3A_118, %dma_wait3A_119] : memref<100000x128xf32, #tpu.memory_space<hbm>> -> memref<100000x128xf32, #tpu.memory_space<hbm>>
    tpu.wait_indirect_dma semaphore(%arg7 : memref<!tpu.dma_semaphore, #tpu.memory_space<semaphore_mem>>) src(%dma_wait3A_120 : memref<100000x128xf32, #tpu.memory_space<hbm>>) dst(%dma_wait3A_115 : memref<120x128xf32, #tpu.memory_space<vmem>>)
    %dma_wait3A_121 = arith.constant 840 : i32
    %dma_wait3A_122 = arith.constant 0 : i32
    %dma_wait3A_123 = tpu.memref_slice %arg6[%dma_wait3A_121, %dma_wait3A_122] : memref<960x128xf32, #tpu.memory_space<vmem>> -> memref<120x128xf32, #tpu.memory_space<vmem>>
    %dma_wait3A_124 = arith.constant 840 : i32
    %dma_wait3A_125 = tpu.memref_slice %arg5[%dma_wait3A_124] : memref<960xi32, #tpu.memory_space<vmem>> -> memref<120xi32, #tpu.memory_space<vmem>>
    %dma_wait3A_126 = arith.constant 0 : i32
    %dma_wait3A_127 = arith.constant 0 : i32
    %dma_wait3A_128 = tpu.memref_slice %arg2[%dma_wait3A_126, %dma_wait3A_127] : memref<100000x128xf32, #tpu.memory_space<hbm>> -> memref<100000x128xf32, #tpu.memory_space<hbm>>
    tpu.wait_indirect_dma semaphore(%arg7 : memref<!tpu.dma_semaphore, #tpu.memory_space<semaphore_mem>>) src(%dma_wait3A_128 : memref<100000x128xf32, #tpu.memory_space<hbm>>) dst(%dma_wait3A_123 : memref<120x128xf32, #tpu.memory_space<vmem>>)
    "tpu.region"() ({
      %run_scoped3A = tpu.sem_alloc : memref<!tpu.dma_semaphore, #tpu.memory_space<semaphore_mem>>
      %dma_start3A_129 = arith.constant 0 : i32
      %dma_start3A_130 = tpu.memref_slice %arg4[%mul3A_2, %dma_start3A_129] : memref<30720x128xf32, #tpu.memory_space<hbm>> -> memref<960x128xf32, #tpu.memory_space<hbm>>
      %dma_start3A_131 = arith.constant 0 : i32
      %dma_start3A_132 = tpu.memref_slice %arg4[%mul3A_2, %dma_start3A_131] : memref<30720x128xf32, #tpu.memory_space<hbm>> -> memref<960x128xf32, #tpu.memory_space<hbm>>
      tpu.enqueue_dma source(%arg6 : memref<960x128xf32, #tpu.memory_space<vmem>>) target(%dma_start3A_132 : memref<960x128xf32, #tpu.memory_space<hbm>>) target_semaphore(%run_scoped3A : memref<!tpu.dma_semaphore, #tpu.memory_space<semaphore_mem>>)
      %dma_wait3A_133 = arith.constant 0 : i32
      %dma_wait3A_134 = tpu.memref_slice %arg4[%mul3A_2, %dma_wait3A_133] : memref<30720x128xf32, #tpu.memory_space<hbm>> -> memref<960x128xf32, #tpu.memory_space<hbm>>
      %dma_wait3A_135 = arith.constant 0 : i32
      %dma_wait3A_136 = tpu.memref_slice %arg4[%mul3A_2, %dma_wait3A_135] : memref<30720x128xf32, #tpu.memory_space<hbm>> -> memref<960x128xf32, #tpu.memory_space<hbm>>
      tpu.wait_dma2 semaphore(%run_scoped3A : memref<!tpu.dma_semaphore, #tpu.memory_space<semaphore_mem>>) src(%arg6 : memref<960x128xf32, #tpu.memory_space<vmem>>) dst(%dma_wait3A_136 : memref<960x128xf32, #tpu.memory_space<hbm>>)
      tpu.yield
    }) : () -> ()
    return
  }
}

module attributes {stable_mosaic.version = 14 : i64} {
  func.func @_select_body(%arg0: i32, %arg1: memref<1024x782xf32, #tpu.memory_space<vmem>>, %arg2: memref<1024x30xi32, #tpu.memory_space<vmem>>, %arg3: memref<1024x30xi32, #tpu.memory_space<vmem>>) attributes {dimension_semantics = [#tpu.dimension_semantics<arbitrary>], iteration_bounds = array<i64: 1>, scalar_prefetch = 0 : i64, scratch_operands = 0 : i64, tpu.core_type = #tpu.core_type<tc>, window_params = [{pipeline_mode = #tpu.pipeline_mode<synchronous>, transform_indices = @transform_0, window_bounds = array<i64: 1024, 782>}, {pipeline_mode = #tpu.pipeline_mode<synchronous>, transform_indices = @transform_1, window_bounds = array<i64: 1024, 30>}, {pipeline_mode = #tpu.pipeline_mode<synchronous>, transform_indices = @transform_2, window_bounds = array<i64: 1024, 30>}]} {
    %get3A = arith.constant 0 : index
    %get3A_0 = arith.constant 0 : index
    %get3A_1 = vector.load %arg1[%get3A, %get3A_0] : memref<1024x782xf32, #tpu.memory_space<vmem>>, vector<1024x782xf32>
    %iota3A = tpu.iota {dimensions = array<i32: 1>} : vector<1024x782xi32>
    %reduce_max3A = arith.constant dense<0xFF800000> : vector<1024xf32>
    %reduce_max3A_2 = vector.multi_reduction <maximumf>, %get3A_1, %reduce_max3A [1] : vector<1024x782xf32> to vector<1024xf32>
    %broadcast_in_dim3A = vector.shape_cast %reduce_max3A_2 : vector<1024xf32> to vector<1024x1xf32>
    %eq3A = vector.broadcast %broadcast_in_dim3A : vector<1024x1xf32> to vector<1024x782xf32>
    %eq3A_3 = arith.cmpf oeq, %get3A_1, %eq3A : vector<1024x782xf32>
    %jit3A = arith.constant 1073741824 : i32
    %broadcast_in_dim3A_4 = vector.broadcast %jit3A : i32 to vector<1024x782xi32>
    %select_n3A = arith.select %eq3A_3, %iota3A, %broadcast_in_dim3A_4 : vector<1024x782xi1>, vector<1024x782xi32>
    %reduce_min3A = arith.constant dense<2147483647> : vector<1024xi32>
    %reduce_min3A_5 = vector.multi_reduction <minsi>, %select_n3A, %reduce_min3A [1] : vector<1024x782xi32> to vector<1024xi32>
    %broadcast_in_dim3A_6 = vector.shape_cast %reduce_min3A_5 : vector<1024xi32> to vector<1024x1xi32>
    %eq3A_7 = vector.broadcast %broadcast_in_dim3A_6 : vector<1024x1xi32> to vector<1024x782xi32>
    %eq3A_8 = arith.cmpi eq, %iota3A, %eq3A_7 : vector<1024x782xi32>
    %jit3A_9 = arith.constant -3.000000e+38 : f32
    %broadcast_in_dim3A_10 = vector.broadcast %jit3A_9 : f32 to vector<1024x782xf32>
    %select_n3A_11 = arith.select %eq3A_8, %broadcast_in_dim3A_10, %get3A_1 : vector<1024x782xi1>, vector<1024x782xf32>
    %reduce_max3A_12 = arith.constant dense<0xFF800000> : vector<1024xf32>
    %reduce_max3A_13 = vector.multi_reduction <maximumf>, %select_n3A_11, %reduce_max3A_12 [1] : vector<1024x782xf32> to vector<1024xf32>
    %broadcast_in_dim3A_14 = vector.shape_cast %reduce_max3A_13 : vector<1024xf32> to vector<1024x1xf32>
    %eq3A_15 = vector.broadcast %broadcast_in_dim3A_14 : vector<1024x1xf32> to vector<1024x782xf32>
    %eq3A_16 = arith.cmpf oeq, %select_n3A_11, %eq3A_15 : vector<1024x782xf32>
    %jit3A_17 = arith.constant 1073741824 : i32
    %broadcast_in_dim3A_18 = vector.broadcast %jit3A_17 : i32 to vector<1024x782xi32>
    %select_n3A_19 = arith.select %eq3A_16, %iota3A, %broadcast_in_dim3A_18 : vector<1024x782xi1>, vector<1024x782xi32>
    %reduce_min3A_20 = arith.constant dense<2147483647> : vector<1024xi32>
    %reduce_min3A_21 = vector.multi_reduction <minsi>, %select_n3A_19, %reduce_min3A_20 [1] : vector<1024x782xi32> to vector<1024xi32>
    %broadcast_in_dim3A_22 = vector.shape_cast %reduce_min3A_21 : vector<1024xi32> to vector<1024x1xi32>
    %eq3A_23 = vector.broadcast %broadcast_in_dim3A_22 : vector<1024x1xi32> to vector<1024x782xi32>
    %eq3A_24 = arith.cmpi eq, %iota3A, %eq3A_23 : vector<1024x782xi32>
    %jit3A_25 = arith.constant -3.000000e+38 : f32
    %broadcast_in_dim3A_26 = vector.broadcast %jit3A_25 : f32 to vector<1024x782xf32>
    %select_n3A_27 = arith.select %eq3A_24, %broadcast_in_dim3A_26, %select_n3A_11 : vector<1024x782xi1>, vector<1024x782xf32>
    %reduce_max3A_28 = arith.constant dense<0xFF800000> : vector<1024xf32>
    %reduce_max3A_29 = vector.multi_reduction <maximumf>, %select_n3A_27, %reduce_max3A_28 [1] : vector<1024x782xf32> to vector<1024xf32>
    %broadcast_in_dim3A_30 = vector.shape_cast %reduce_max3A_29 : vector<1024xf32> to vector<1024x1xf32>
    %eq3A_31 = vector.broadcast %broadcast_in_dim3A_30 : vector<1024x1xf32> to vector<1024x782xf32>
    %eq3A_32 = arith.cmpf oeq, %select_n3A_27, %eq3A_31 : vector<1024x782xf32>
    %jit3A_33 = arith.constant 1073741824 : i32
    %broadcast_in_dim3A_34 = vector.broadcast %jit3A_33 : i32 to vector<1024x782xi32>
    %select_n3A_35 = arith.select %eq3A_32, %iota3A, %broadcast_in_dim3A_34 : vector<1024x782xi1>, vector<1024x782xi32>
    %reduce_min3A_36 = arith.constant dense<2147483647> : vector<1024xi32>
    %reduce_min3A_37 = vector.multi_reduction <minsi>, %select_n3A_35, %reduce_min3A_36 [1] : vector<1024x782xi32> to vector<1024xi32>
    %broadcast_in_dim3A_38 = vector.shape_cast %reduce_min3A_37 : vector<1024xi32> to vector<1024x1xi32>
    %eq3A_39 = vector.broadcast %broadcast_in_dim3A_38 : vector<1024x1xi32> to vector<1024x782xi32>
    %eq3A_40 = arith.cmpi eq, %iota3A, %eq3A_39 : vector<1024x782xi32>
    %jit3A_41 = arith.constant -3.000000e+38 : f32
    %broadcast_in_dim3A_42 = vector.broadcast %jit3A_41 : f32 to vector<1024x782xf32>
    %select_n3A_43 = arith.select %eq3A_40, %broadcast_in_dim3A_42, %select_n3A_27 : vector<1024x782xi1>, vector<1024x782xf32>
    %reduce_max3A_44 = arith.constant dense<0xFF800000> : vector<1024xf32>
    %reduce_max3A_45 = vector.multi_reduction <maximumf>, %select_n3A_43, %reduce_max3A_44 [1] : vector<1024x782xf32> to vector<1024xf32>
    %broadcast_in_dim3A_46 = vector.shape_cast %reduce_max3A_45 : vector<1024xf32> to vector<1024x1xf32>
    %eq3A_47 = vector.broadcast %broadcast_in_dim3A_46 : vector<1024x1xf32> to vector<1024x782xf32>
    %eq3A_48 = arith.cmpf oeq, %select_n3A_43, %eq3A_47 : vector<1024x782xf32>
    %jit3A_49 = arith.constant 1073741824 : i32
    %broadcast_in_dim3A_50 = vector.broadcast %jit3A_49 : i32 to vector<1024x782xi32>
    %select_n3A_51 = arith.select %eq3A_48, %iota3A, %broadcast_in_dim3A_50 : vector<1024x782xi1>, vector<1024x782xi32>
    %reduce_min3A_52 = arith.constant dense<2147483647> : vector<1024xi32>
    %reduce_min3A_53 = vector.multi_reduction <minsi>, %select_n3A_51, %reduce_min3A_52 [1] : vector<1024x782xi32> to vector<1024xi32>
    %broadcast_in_dim3A_54 = vector.shape_cast %reduce_min3A_53 : vector<1024xi32> to vector<1024x1xi32>
    %eq3A_55 = vector.broadcast %broadcast_in_dim3A_54 : vector<1024x1xi32> to vector<1024x782xi32>
    %eq3A_56 = arith.cmpi eq, %iota3A, %eq3A_55 : vector<1024x782xi32>
    %jit3A_57 = arith.constant -3.000000e+38 : f32
    %broadcast_in_dim3A_58 = vector.broadcast %jit3A_57 : f32 to vector<1024x782xf32>
    %select_n3A_59 = arith.select %eq3A_56, %broadcast_in_dim3A_58, %select_n3A_43 : vector<1024x782xi1>, vector<1024x782xf32>
    %reduce_max3A_60 = arith.constant dense<0xFF800000> : vector<1024xf32>
    %reduce_max3A_61 = vector.multi_reduction <maximumf>, %select_n3A_59, %reduce_max3A_60 [1] : vector<1024x782xf32> to vector<1024xf32>
    %broadcast_in_dim3A_62 = vector.shape_cast %reduce_max3A_61 : vector<1024xf32> to vector<1024x1xf32>
    %eq3A_63 = vector.broadcast %broadcast_in_dim3A_62 : vector<1024x1xf32> to vector<1024x782xf32>
    %eq3A_64 = arith.cmpf oeq, %select_n3A_59, %eq3A_63 : vector<1024x782xf32>
    %jit3A_65 = arith.constant 1073741824 : i32
    %broadcast_in_dim3A_66 = vector.broadcast %jit3A_65 : i32 to vector<1024x782xi32>
    %select_n3A_67 = arith.select %eq3A_64, %iota3A, %broadcast_in_dim3A_66 : vector<1024x782xi1>, vector<1024x782xi32>
    %reduce_min3A_68 = arith.constant dense<2147483647> : vector<1024xi32>
    %reduce_min3A_69 = vector.multi_reduction <minsi>, %select_n3A_67, %reduce_min3A_68 [1] : vector<1024x782xi32> to vector<1024xi32>
    %broadcast_in_dim3A_70 = vector.shape_cast %reduce_min3A_69 : vector<1024xi32> to vector<1024x1xi32>
    %eq3A_71 = vector.broadcast %broadcast_in_dim3A_70 : vector<1024x1xi32> to vector<1024x782xi32>
    %eq3A_72 = arith.cmpi eq, %iota3A, %eq3A_71 : vector<1024x782xi32>
    %jit3A_73 = arith.constant -3.000000e+38 : f32
    %broadcast_in_dim3A_74 = vector.broadcast %jit3A_73 : f32 to vector<1024x782xf32>
    %select_n3A_75 = arith.select %eq3A_72, %broadcast_in_dim3A_74, %select_n3A_59 : vector<1024x782xi1>, vector<1024x782xf32>
    %reduce_max3A_76 = arith.constant dense<0xFF800000> : vector<1024xf32>
    %reduce_max3A_77 = vector.multi_reduction <maximumf>, %select_n3A_75, %reduce_max3A_76 [1] : vector<1024x782xf32> to vector<1024xf32>
    %broadcast_in_dim3A_78 = vector.shape_cast %reduce_max3A_77 : vector<1024xf32> to vector<1024x1xf32>
    %eq3A_79 = vector.broadcast %broadcast_in_dim3A_78 : vector<1024x1xf32> to vector<1024x782xf32>
    %eq3A_80 = arith.cmpf oeq, %select_n3A_75, %eq3A_79 : vector<1024x782xf32>
    %jit3A_81 = arith.constant 1073741824 : i32
    %broadcast_in_dim3A_82 = vector.broadcast %jit3A_81 : i32 to vector<1024x782xi32>
    %select_n3A_83 = arith.select %eq3A_80, %iota3A, %broadcast_in_dim3A_82 : vector<1024x782xi1>, vector<1024x782xi32>
    %reduce_min3A_84 = arith.constant dense<2147483647> : vector<1024xi32>
    %reduce_min3A_85 = vector.multi_reduction <minsi>, %select_n3A_83, %reduce_min3A_84 [1] : vector<1024x782xi32> to vector<1024xi32>
    %broadcast_in_dim3A_86 = vector.shape_cast %reduce_min3A_85 : vector<1024xi32> to vector<1024x1xi32>
    %eq3A_87 = vector.broadcast %broadcast_in_dim3A_86 : vector<1024x1xi32> to vector<1024x782xi32>
    %eq3A_88 = arith.cmpi eq, %iota3A, %eq3A_87 : vector<1024x782xi32>
    %jit3A_89 = arith.constant -3.000000e+38 : f32
    %broadcast_in_dim3A_90 = vector.broadcast %jit3A_89 : f32 to vector<1024x782xf32>
    %select_n3A_91 = arith.select %eq3A_88, %broadcast_in_dim3A_90, %select_n3A_75 : vector<1024x782xi1>, vector<1024x782xf32>
    %reduce_max3A_92 = arith.constant dense<0xFF800000> : vector<1024xf32>
    %reduce_max3A_93 = vector.multi_reduction <maximumf>, %select_n3A_91, %reduce_max3A_92 [1] : vector<1024x782xf32> to vector<1024xf32>
    %broadcast_in_dim3A_94 = vector.shape_cast %reduce_max3A_93 : vector<1024xf32> to vector<1024x1xf32>
    %eq3A_95 = vector.broadcast %broadcast_in_dim3A_94 : vector<1024x1xf32> to vector<1024x782xf32>
    %eq3A_96 = arith.cmpf oeq, %select_n3A_91, %eq3A_95 : vector<1024x782xf32>
    %jit3A_97 = arith.constant 1073741824 : i32
    %broadcast_in_dim3A_98 = vector.broadcast %jit3A_97 : i32 to vector<1024x782xi32>
    %select_n3A_99 = arith.select %eq3A_96, %iota3A, %broadcast_in_dim3A_98 : vector<1024x782xi1>, vector<1024x782xi32>
    %reduce_min3A_100 = arith.constant dense<2147483647> : vector<1024xi32>
    %reduce_min3A_101 = vector.multi_reduction <minsi>, %select_n3A_99, %reduce_min3A_100 [1] : vector<1024x782xi32> to vector<1024xi32>
    %broadcast_in_dim3A_102 = vector.shape_cast %reduce_min3A_101 : vector<1024xi32> to vector<1024x1xi32>
    %eq3A_103 = vector.broadcast %broadcast_in_dim3A_102 : vector<1024x1xi32> to vector<1024x782xi32>
    %eq3A_104 = arith.cmpi eq, %iota3A, %eq3A_103 : vector<1024x782xi32>
    %jit3A_105 = arith.constant -3.000000e+38 : f32
    %broadcast_in_dim3A_106 = vector.broadcast %jit3A_105 : f32 to vector<1024x782xf32>
    %select_n3A_107 = arith.select %eq3A_104, %broadcast_in_dim3A_106, %select_n3A_91 : vector<1024x782xi1>, vector<1024x782xf32>
    %reduce_max3A_108 = arith.constant dense<0xFF800000> : vector<1024xf32>
    %reduce_max3A_109 = vector.multi_reduction <maximumf>, %select_n3A_107, %reduce_max3A_108 [1] : vector<1024x782xf32> to vector<1024xf32>
    %broadcast_in_dim3A_110 = vector.shape_cast %reduce_max3A_109 : vector<1024xf32> to vector<1024x1xf32>
    %eq3A_111 = vector.broadcast %broadcast_in_dim3A_110 : vector<1024x1xf32> to vector<1024x782xf32>
    %eq3A_112 = arith.cmpf oeq, %select_n3A_107, %eq3A_111 : vector<1024x782xf32>
    %jit3A_113 = arith.constant 1073741824 : i32
    %broadcast_in_dim3A_114 = vector.broadcast %jit3A_113 : i32 to vector<1024x782xi32>
    %select_n3A_115 = arith.select %eq3A_112, %iota3A, %broadcast_in_dim3A_114 : vector<1024x782xi1>, vector<1024x782xi32>
    %reduce_min3A_116 = arith.constant dense<2147483647> : vector<1024xi32>
    %reduce_min3A_117 = vector.multi_reduction <minsi>, %select_n3A_115, %reduce_min3A_116 [1] : vector<1024x782xi32> to vector<1024xi32>
    %broadcast_in_dim3A_118 = vector.shape_cast %reduce_min3A_117 : vector<1024xi32> to vector<1024x1xi32>
    %eq3A_119 = vector.broadcast %broadcast_in_dim3A_118 : vector<1024x1xi32> to vector<1024x782xi32>
    %eq3A_120 = arith.cmpi eq, %iota3A, %eq3A_119 : vector<1024x782xi32>
    %jit3A_121 = arith.constant -3.000000e+38 : f32
    %broadcast_in_dim3A_122 = vector.broadcast %jit3A_121 : f32 to vector<1024x782xf32>
    %select_n3A_123 = arith.select %eq3A_120, %broadcast_in_dim3A_122, %select_n3A_107 : vector<1024x782xi1>, vector<1024x782xf32>
    %reduce_max3A_124 = arith.constant dense<0xFF800000> : vector<1024xf32>
    %reduce_max3A_125 = vector.multi_reduction <maximumf>, %select_n3A_123, %reduce_max3A_124 [1] : vector<1024x782xf32> to vector<1024xf32>
    %broadcast_in_dim3A_126 = vector.shape_cast %reduce_max3A_125 : vector<1024xf32> to vector<1024x1xf32>
    %eq3A_127 = vector.broadcast %broadcast_in_dim3A_126 : vector<1024x1xf32> to vector<1024x782xf32>
    %eq3A_128 = arith.cmpf oeq, %select_n3A_123, %eq3A_127 : vector<1024x782xf32>
    %jit3A_129 = arith.constant 1073741824 : i32
    %broadcast_in_dim3A_130 = vector.broadcast %jit3A_129 : i32 to vector<1024x782xi32>
    %select_n3A_131 = arith.select %eq3A_128, %iota3A, %broadcast_in_dim3A_130 : vector<1024x782xi1>, vector<1024x782xi32>
    %reduce_min3A_132 = arith.constant dense<2147483647> : vector<1024xi32>
    %reduce_min3A_133 = vector.multi_reduction <minsi>, %select_n3A_131, %reduce_min3A_132 [1] : vector<1024x782xi32> to vector<1024xi32>
    %broadcast_in_dim3A_134 = vector.shape_cast %reduce_min3A_133 : vector<1024xi32> to vector<1024x1xi32>
    %eq3A_135 = vector.broadcast %broadcast_in_dim3A_134 : vector<1024x1xi32> to vector<1024x782xi32>
    %eq3A_136 = arith.cmpi eq, %iota3A, %eq3A_135 : vector<1024x782xi32>
    %jit3A_137 = arith.constant -3.000000e+38 : f32
    %broadcast_in_dim3A_138 = vector.broadcast %jit3A_137 : f32 to vector<1024x782xf32>
    %select_n3A_139 = arith.select %eq3A_136, %broadcast_in_dim3A_138, %select_n3A_123 : vector<1024x782xi1>, vector<1024x782xf32>
    %reduce_max3A_140 = arith.constant dense<0xFF800000> : vector<1024xf32>
    %reduce_max3A_141 = vector.multi_reduction <maximumf>, %select_n3A_139, %reduce_max3A_140 [1] : vector<1024x782xf32> to vector<1024xf32>
    %broadcast_in_dim3A_142 = vector.shape_cast %reduce_max3A_141 : vector<1024xf32> to vector<1024x1xf32>
    %eq3A_143 = vector.broadcast %broadcast_in_dim3A_142 : vector<1024x1xf32> to vector<1024x782xf32>
    %eq3A_144 = arith.cmpf oeq, %select_n3A_139, %eq3A_143 : vector<1024x782xf32>
    %jit3A_145 = arith.constant 1073741824 : i32
    %broadcast_in_dim3A_146 = vector.broadcast %jit3A_145 : i32 to vector<1024x782xi32>
    %select_n3A_147 = arith.select %eq3A_144, %iota3A, %broadcast_in_dim3A_146 : vector<1024x782xi1>, vector<1024x782xi32>
    %reduce_min3A_148 = arith.constant dense<2147483647> : vector<1024xi32>
    %reduce_min3A_149 = vector.multi_reduction <minsi>, %select_n3A_147, %reduce_min3A_148 [1] : vector<1024x782xi32> to vector<1024xi32>
    %broadcast_in_dim3A_150 = vector.shape_cast %reduce_min3A_149 : vector<1024xi32> to vector<1024x1xi32>
    %eq3A_151 = vector.broadcast %broadcast_in_dim3A_150 : vector<1024x1xi32> to vector<1024x782xi32>
    %eq3A_152 = arith.cmpi eq, %iota3A, %eq3A_151 : vector<1024x782xi32>
    %jit3A_153 = arith.constant -3.000000e+38 : f32
    %broadcast_in_dim3A_154 = vector.broadcast %jit3A_153 : f32 to vector<1024x782xf32>
    %select_n3A_155 = arith.select %eq3A_152, %broadcast_in_dim3A_154, %select_n3A_139 : vector<1024x782xi1>, vector<1024x782xf32>
    %reduce_max3A_156 = arith.constant dense<0xFF800000> : vector<1024xf32>
    %reduce_max3A_157 = vector.multi_reduction <maximumf>, %select_n3A_155, %reduce_max3A_156 [1] : vector<1024x782xf32> to vector<1024xf32>
    %broadcast_in_dim3A_158 = vector.shape_cast %reduce_max3A_157 : vector<1024xf32> to vector<1024x1xf32>
    %eq3A_159 = vector.broadcast %broadcast_in_dim3A_158 : vector<1024x1xf32> to vector<1024x782xf32>
    %eq3A_160 = arith.cmpf oeq, %select_n3A_155, %eq3A_159 : vector<1024x782xf32>
    %jit3A_161 = arith.constant 1073741824 : i32
    %broadcast_in_dim3A_162 = vector.broadcast %jit3A_161 : i32 to vector<1024x782xi32>
    %select_n3A_163 = arith.select %eq3A_160, %iota3A, %broadcast_in_dim3A_162 : vector<1024x782xi1>, vector<1024x782xi32>
    %reduce_min3A_164 = arith.constant dense<2147483647> : vector<1024xi32>
    %reduce_min3A_165 = vector.multi_reduction <minsi>, %select_n3A_163, %reduce_min3A_164 [1] : vector<1024x782xi32> to vector<1024xi32>
    %broadcast_in_dim3A_166 = vector.shape_cast %reduce_min3A_165 : vector<1024xi32> to vector<1024x1xi32>
    %eq3A_167 = vector.broadcast %broadcast_in_dim3A_166 : vector<1024x1xi32> to vector<1024x782xi32>
    %eq3A_168 = arith.cmpi eq, %iota3A, %eq3A_167 : vector<1024x782xi32>
    %jit3A_169 = arith.constant -3.000000e+38 : f32
    %broadcast_in_dim3A_170 = vector.broadcast %jit3A_169 : f32 to vector<1024x782xf32>
    %select_n3A_171 = arith.select %eq3A_168, %broadcast_in_dim3A_170, %select_n3A_155 : vector<1024x782xi1>, vector<1024x782xf32>
    %reduce_max3A_172 = arith.constant dense<0xFF800000> : vector<1024xf32>
    %reduce_max3A_173 = vector.multi_reduction <maximumf>, %select_n3A_171, %reduce_max3A_172 [1] : vector<1024x782xf32> to vector<1024xf32>
    %broadcast_in_dim3A_174 = vector.shape_cast %reduce_max3A_173 : vector<1024xf32> to vector<1024x1xf32>
    %eq3A_175 = vector.broadcast %broadcast_in_dim3A_174 : vector<1024x1xf32> to vector<1024x782xf32>
    %eq3A_176 = arith.cmpf oeq, %select_n3A_171, %eq3A_175 : vector<1024x782xf32>
    %jit3A_177 = arith.constant 1073741824 : i32
    %broadcast_in_dim3A_178 = vector.broadcast %jit3A_177 : i32 to vector<1024x782xi32>
    %select_n3A_179 = arith.select %eq3A_176, %iota3A, %broadcast_in_dim3A_178 : vector<1024x782xi1>, vector<1024x782xi32>
    %reduce_min3A_180 = arith.constant dense<2147483647> : vector<1024xi32>
    %reduce_min3A_181 = vector.multi_reduction <minsi>, %select_n3A_179, %reduce_min3A_180 [1] : vector<1024x782xi32> to vector<1024xi32>
    %broadcast_in_dim3A_182 = vector.shape_cast %reduce_min3A_181 : vector<1024xi32> to vector<1024x1xi32>
    %eq3A_183 = vector.broadcast %broadcast_in_dim3A_182 : vector<1024x1xi32> to vector<1024x782xi32>
    %eq3A_184 = arith.cmpi eq, %iota3A, %eq3A_183 : vector<1024x782xi32>
    %jit3A_185 = arith.constant -3.000000e+38 : f32
    %broadcast_in_dim3A_186 = vector.broadcast %jit3A_185 : f32 to vector<1024x782xf32>
    %select_n3A_187 = arith.select %eq3A_184, %broadcast_in_dim3A_186, %select_n3A_171 : vector<1024x782xi1>, vector<1024x782xf32>
    %reduce_max3A_188 = arith.constant dense<0xFF800000> : vector<1024xf32>
    %reduce_max3A_189 = vector.multi_reduction <maximumf>, %select_n3A_187, %reduce_max3A_188 [1] : vector<1024x782xf32> to vector<1024xf32>
    %broadcast_in_dim3A_190 = vector.shape_cast %reduce_max3A_189 : vector<1024xf32> to vector<1024x1xf32>
    %eq3A_191 = vector.broadcast %broadcast_in_dim3A_190 : vector<1024x1xf32> to vector<1024x782xf32>
    %eq3A_192 = arith.cmpf oeq, %select_n3A_187, %eq3A_191 : vector<1024x782xf32>
    %jit3A_193 = arith.constant 1073741824 : i32
    %broadcast_in_dim3A_194 = vector.broadcast %jit3A_193 : i32 to vector<1024x782xi32>
    %select_n3A_195 = arith.select %eq3A_192, %iota3A, %broadcast_in_dim3A_194 : vector<1024x782xi1>, vector<1024x782xi32>
    %reduce_min3A_196 = arith.constant dense<2147483647> : vector<1024xi32>
    %reduce_min3A_197 = vector.multi_reduction <minsi>, %select_n3A_195, %reduce_min3A_196 [1] : vector<1024x782xi32> to vector<1024xi32>
    %broadcast_in_dim3A_198 = vector.shape_cast %reduce_min3A_197 : vector<1024xi32> to vector<1024x1xi32>
    %eq3A_199 = vector.broadcast %broadcast_in_dim3A_198 : vector<1024x1xi32> to vector<1024x782xi32>
    %eq3A_200 = arith.cmpi eq, %iota3A, %eq3A_199 : vector<1024x782xi32>
    %jit3A_201 = arith.constant -3.000000e+38 : f32
    %broadcast_in_dim3A_202 = vector.broadcast %jit3A_201 : f32 to vector<1024x782xf32>
    %select_n3A_203 = arith.select %eq3A_200, %broadcast_in_dim3A_202, %select_n3A_187 : vector<1024x782xi1>, vector<1024x782xf32>
    %reduce_max3A_204 = arith.constant dense<0xFF800000> : vector<1024xf32>
    %reduce_max3A_205 = vector.multi_reduction <maximumf>, %select_n3A_203, %reduce_max3A_204 [1] : vector<1024x782xf32> to vector<1024xf32>
    %broadcast_in_dim3A_206 = vector.shape_cast %reduce_max3A_205 : vector<1024xf32> to vector<1024x1xf32>
    %eq3A_207 = vector.broadcast %broadcast_in_dim3A_206 : vector<1024x1xf32> to vector<1024x782xf32>
    %eq3A_208 = arith.cmpf oeq, %select_n3A_203, %eq3A_207 : vector<1024x782xf32>
    %jit3A_209 = arith.constant 1073741824 : i32
    %broadcast_in_dim3A_210 = vector.broadcast %jit3A_209 : i32 to vector<1024x782xi32>
    %select_n3A_211 = arith.select %eq3A_208, %iota3A, %broadcast_in_dim3A_210 : vector<1024x782xi1>, vector<1024x782xi32>
    %reduce_min3A_212 = arith.constant dense<2147483647> : vector<1024xi32>
    %reduce_min3A_213 = vector.multi_reduction <minsi>, %select_n3A_211, %reduce_min3A_212 [1] : vector<1024x782xi32> to vector<1024xi32>
    %broadcast_in_dim3A_214 = vector.shape_cast %reduce_min3A_213 : vector<1024xi32> to vector<1024x1xi32>
    %eq3A_215 = vector.broadcast %broadcast_in_dim3A_214 : vector<1024x1xi32> to vector<1024x782xi32>
    %eq3A_216 = arith.cmpi eq, %iota3A, %eq3A_215 : vector<1024x782xi32>
    %jit3A_217 = arith.constant -3.000000e+38 : f32
    %broadcast_in_dim3A_218 = vector.broadcast %jit3A_217 : f32 to vector<1024x782xf32>
    %select_n3A_219 = arith.select %eq3A_216, %broadcast_in_dim3A_218, %select_n3A_203 : vector<1024x782xi1>, vector<1024x782xf32>
    %reduce_max3A_220 = arith.constant dense<0xFF800000> : vector<1024xf32>
    %reduce_max3A_221 = vector.multi_reduction <maximumf>, %select_n3A_219, %reduce_max3A_220 [1] : vector<1024x782xf32> to vector<1024xf32>
    %broadcast_in_dim3A_222 = vector.shape_cast %reduce_max3A_221 : vector<1024xf32> to vector<1024x1xf32>
    %eq3A_223 = vector.broadcast %broadcast_in_dim3A_222 : vector<1024x1xf32> to vector<1024x782xf32>
    %eq3A_224 = arith.cmpf oeq, %select_n3A_219, %eq3A_223 : vector<1024x782xf32>
    %jit3A_225 = arith.constant 1073741824 : i32
    %broadcast_in_dim3A_226 = vector.broadcast %jit3A_225 : i32 to vector<1024x782xi32>
    %select_n3A_227 = arith.select %eq3A_224, %iota3A, %broadcast_in_dim3A_226 : vector<1024x782xi1>, vector<1024x782xi32>
    %reduce_min3A_228 = arith.constant dense<2147483647> : vector<1024xi32>
    %reduce_min3A_229 = vector.multi_reduction <minsi>, %select_n3A_227, %reduce_min3A_228 [1] : vector<1024x782xi32> to vector<1024xi32>
    %broadcast_in_dim3A_230 = vector.shape_cast %reduce_min3A_229 : vector<1024xi32> to vector<1024x1xi32>
    %eq3A_231 = vector.broadcast %broadcast_in_dim3A_230 : vector<1024x1xi32> to vector<1024x782xi32>
    %eq3A_232 = arith.cmpi eq, %iota3A, %eq3A_231 : vector<1024x782xi32>
    %jit3A_233 = arith.constant -3.000000e+38 : f32
    %broadcast_in_dim3A_234 = vector.broadcast %jit3A_233 : f32 to vector<1024x782xf32>
    %select_n3A_235 = arith.select %eq3A_232, %broadcast_in_dim3A_234, %select_n3A_219 : vector<1024x782xi1>, vector<1024x782xf32>
    %reduce_max3A_236 = arith.constant dense<0xFF800000> : vector<1024xf32>
    %reduce_max3A_237 = vector.multi_reduction <maximumf>, %select_n3A_235, %reduce_max3A_236 [1] : vector<1024x782xf32> to vector<1024xf32>
    %broadcast_in_dim3A_238 = vector.shape_cast %reduce_max3A_237 : vector<1024xf32> to vector<1024x1xf32>
    %eq3A_239 = vector.broadcast %broadcast_in_dim3A_238 : vector<1024x1xf32> to vector<1024x782xf32>
    %eq3A_240 = arith.cmpf oeq, %select_n3A_235, %eq3A_239 : vector<1024x782xf32>
    %jit3A_241 = arith.constant 1073741824 : i32
    %broadcast_in_dim3A_242 = vector.broadcast %jit3A_241 : i32 to vector<1024x782xi32>
    %select_n3A_243 = arith.select %eq3A_240, %iota3A, %broadcast_in_dim3A_242 : vector<1024x782xi1>, vector<1024x782xi32>
    %reduce_min3A_244 = arith.constant dense<2147483647> : vector<1024xi32>
    %reduce_min3A_245 = vector.multi_reduction <minsi>, %select_n3A_243, %reduce_min3A_244 [1] : vector<1024x782xi32> to vector<1024xi32>
    %broadcast_in_dim3A_246 = vector.shape_cast %reduce_min3A_245 : vector<1024xi32> to vector<1024x1xi32>
    %eq3A_247 = vector.broadcast %broadcast_in_dim3A_246 : vector<1024x1xi32> to vector<1024x782xi32>
    %eq3A_248 = arith.cmpi eq, %iota3A, %eq3A_247 : vector<1024x782xi32>
    %jit3A_249 = arith.constant -3.000000e+38 : f32
    %broadcast_in_dim3A_250 = vector.broadcast %jit3A_249 : f32 to vector<1024x782xf32>
    %select_n3A_251 = arith.select %eq3A_248, %broadcast_in_dim3A_250, %select_n3A_235 : vector<1024x782xi1>, vector<1024x782xf32>
    %reduce_max3A_252 = arith.constant dense<0xFF800000> : vector<1024xf32>
    %reduce_max3A_253 = vector.multi_reduction <maximumf>, %select_n3A_251, %reduce_max3A_252 [1] : vector<1024x782xf32> to vector<1024xf32>
    %broadcast_in_dim3A_254 = vector.shape_cast %reduce_max3A_253 : vector<1024xf32> to vector<1024x1xf32>
    %eq3A_255 = vector.broadcast %broadcast_in_dim3A_254 : vector<1024x1xf32> to vector<1024x782xf32>
    %eq3A_256 = arith.cmpf oeq, %select_n3A_251, %eq3A_255 : vector<1024x782xf32>
    %jit3A_257 = arith.constant 1073741824 : i32
    %broadcast_in_dim3A_258 = vector.broadcast %jit3A_257 : i32 to vector<1024x782xi32>
    %select_n3A_259 = arith.select %eq3A_256, %iota3A, %broadcast_in_dim3A_258 : vector<1024x782xi1>, vector<1024x782xi32>
    %reduce_min3A_260 = arith.constant dense<2147483647> : vector<1024xi32>
    %reduce_min3A_261 = vector.multi_reduction <minsi>, %select_n3A_259, %reduce_min3A_260 [1] : vector<1024x782xi32> to vector<1024xi32>
    %broadcast_in_dim3A_262 = vector.shape_cast %reduce_min3A_261 : vector<1024xi32> to vector<1024x1xi32>
    %eq3A_263 = vector.broadcast %broadcast_in_dim3A_262 : vector<1024x1xi32> to vector<1024x782xi32>
    %eq3A_264 = arith.cmpi eq, %iota3A, %eq3A_263 : vector<1024x782xi32>
    %jit3A_265 = arith.constant -3.000000e+38 : f32
    %broadcast_in_dim3A_266 = vector.broadcast %jit3A_265 : f32 to vector<1024x782xf32>
    %select_n3A_267 = arith.select %eq3A_264, %broadcast_in_dim3A_266, %select_n3A_251 : vector<1024x782xi1>, vector<1024x782xf32>
    %reduce_max3A_268 = arith.constant dense<0xFF800000> : vector<1024xf32>
    %reduce_max3A_269 = vector.multi_reduction <maximumf>, %select_n3A_267, %reduce_max3A_268 [1] : vector<1024x782xf32> to vector<1024xf32>
    %broadcast_in_dim3A_270 = vector.shape_cast %reduce_max3A_269 : vector<1024xf32> to vector<1024x1xf32>
    %eq3A_271 = vector.broadcast %broadcast_in_dim3A_270 : vector<1024x1xf32> to vector<1024x782xf32>
    %eq3A_272 = arith.cmpf oeq, %select_n3A_267, %eq3A_271 : vector<1024x782xf32>
    %jit3A_273 = arith.constant 1073741824 : i32
    %broadcast_in_dim3A_274 = vector.broadcast %jit3A_273 : i32 to vector<1024x782xi32>
    %select_n3A_275 = arith.select %eq3A_272, %iota3A, %broadcast_in_dim3A_274 : vector<1024x782xi1>, vector<1024x782xi32>
    %reduce_min3A_276 = arith.constant dense<2147483647> : vector<1024xi32>
    %reduce_min3A_277 = vector.multi_reduction <minsi>, %select_n3A_275, %reduce_min3A_276 [1] : vector<1024x782xi32> to vector<1024xi32>
    %broadcast_in_dim3A_278 = vector.shape_cast %reduce_min3A_277 : vector<1024xi32> to vector<1024x1xi32>
    %eq3A_279 = vector.broadcast %broadcast_in_dim3A_278 : vector<1024x1xi32> to vector<1024x782xi32>
    %eq3A_280 = arith.cmpi eq, %iota3A, %eq3A_279 : vector<1024x782xi32>
    %jit3A_281 = arith.constant -3.000000e+38 : f32
    %broadcast_in_dim3A_282 = vector.broadcast %jit3A_281 : f32 to vector<1024x782xf32>
    %select_n3A_283 = arith.select %eq3A_280, %broadcast_in_dim3A_282, %select_n3A_267 : vector<1024x782xi1>, vector<1024x782xf32>
    %reduce_max3A_284 = arith.constant dense<0xFF800000> : vector<1024xf32>
    %reduce_max3A_285 = vector.multi_reduction <maximumf>, %select_n3A_283, %reduce_max3A_284 [1] : vector<1024x782xf32> to vector<1024xf32>
    %broadcast_in_dim3A_286 = vector.shape_cast %reduce_max3A_285 : vector<1024xf32> to vector<1024x1xf32>
    %eq3A_287 = vector.broadcast %broadcast_in_dim3A_286 : vector<1024x1xf32> to vector<1024x782xf32>
    %eq3A_288 = arith.cmpf oeq, %select_n3A_283, %eq3A_287 : vector<1024x782xf32>
    %jit3A_289 = arith.constant 1073741824 : i32
    %broadcast_in_dim3A_290 = vector.broadcast %jit3A_289 : i32 to vector<1024x782xi32>
    %select_n3A_291 = arith.select %eq3A_288, %iota3A, %broadcast_in_dim3A_290 : vector<1024x782xi1>, vector<1024x782xi32>
    %reduce_min3A_292 = arith.constant dense<2147483647> : vector<1024xi32>
    %reduce_min3A_293 = vector.multi_reduction <minsi>, %select_n3A_291, %reduce_min3A_292 [1] : vector<1024x782xi32> to vector<1024xi32>
    %broadcast_in_dim3A_294 = vector.shape_cast %reduce_min3A_293 : vector<1024xi32> to vector<1024x1xi32>
    %eq3A_295 = vector.broadcast %broadcast_in_dim3A_294 : vector<1024x1xi32> to vector<1024x782xi32>
    %eq3A_296 = arith.cmpi eq, %iota3A, %eq3A_295 : vector<1024x782xi32>
    %jit3A_297 = arith.constant -3.000000e+38 : f32
    %broadcast_in_dim3A_298 = vector.broadcast %jit3A_297 : f32 to vector<1024x782xf32>
    %select_n3A_299 = arith.select %eq3A_296, %broadcast_in_dim3A_298, %select_n3A_283 : vector<1024x782xi1>, vector<1024x782xf32>
    %reduce_max3A_300 = arith.constant dense<0xFF800000> : vector<1024xf32>
    %reduce_max3A_301 = vector.multi_reduction <maximumf>, %select_n3A_299, %reduce_max3A_300 [1] : vector<1024x782xf32> to vector<1024xf32>
    %broadcast_in_dim3A_302 = vector.shape_cast %reduce_max3A_301 : vector<1024xf32> to vector<1024x1xf32>
    %eq3A_303 = vector.broadcast %broadcast_in_dim3A_302 : vector<1024x1xf32> to vector<1024x782xf32>
    %eq3A_304 = arith.cmpf oeq, %select_n3A_299, %eq3A_303 : vector<1024x782xf32>
    %jit3A_305 = arith.constant 1073741824 : i32
    %broadcast_in_dim3A_306 = vector.broadcast %jit3A_305 : i32 to vector<1024x782xi32>
    %select_n3A_307 = arith.select %eq3A_304, %iota3A, %broadcast_in_dim3A_306 : vector<1024x782xi1>, vector<1024x782xi32>
    %reduce_min3A_308 = arith.constant dense<2147483647> : vector<1024xi32>
    %reduce_min3A_309 = vector.multi_reduction <minsi>, %select_n3A_307, %reduce_min3A_308 [1] : vector<1024x782xi32> to vector<1024xi32>
    %broadcast_in_dim3A_310 = vector.shape_cast %reduce_min3A_309 : vector<1024xi32> to vector<1024x1xi32>
    %eq3A_311 = vector.broadcast %broadcast_in_dim3A_310 : vector<1024x1xi32> to vector<1024x782xi32>
    %eq3A_312 = arith.cmpi eq, %iota3A, %eq3A_311 : vector<1024x782xi32>
    %jit3A_313 = arith.constant -3.000000e+38 : f32
    %broadcast_in_dim3A_314 = vector.broadcast %jit3A_313 : f32 to vector<1024x782xf32>
    %select_n3A_315 = arith.select %eq3A_312, %broadcast_in_dim3A_314, %select_n3A_299 : vector<1024x782xi1>, vector<1024x782xf32>
    %reduce_max3A_316 = arith.constant dense<0xFF800000> : vector<1024xf32>
    %reduce_max3A_317 = vector.multi_reduction <maximumf>, %select_n3A_315, %reduce_max3A_316 [1] : vector<1024x782xf32> to vector<1024xf32>
    %broadcast_in_dim3A_318 = vector.shape_cast %reduce_max3A_317 : vector<1024xf32> to vector<1024x1xf32>
    %eq3A_319 = vector.broadcast %broadcast_in_dim3A_318 : vector<1024x1xf32> to vector<1024x782xf32>
    %eq3A_320 = arith.cmpf oeq, %select_n3A_315, %eq3A_319 : vector<1024x782xf32>
    %jit3A_321 = arith.constant 1073741824 : i32
    %broadcast_in_dim3A_322 = vector.broadcast %jit3A_321 : i32 to vector<1024x782xi32>
    %select_n3A_323 = arith.select %eq3A_320, %iota3A, %broadcast_in_dim3A_322 : vector<1024x782xi1>, vector<1024x782xi32>
    %reduce_min3A_324 = arith.constant dense<2147483647> : vector<1024xi32>
    %reduce_min3A_325 = vector.multi_reduction <minsi>, %select_n3A_323, %reduce_min3A_324 [1] : vector<1024x782xi32> to vector<1024xi32>
    %broadcast_in_dim3A_326 = vector.shape_cast %reduce_min3A_325 : vector<1024xi32> to vector<1024x1xi32>
    %eq3A_327 = vector.broadcast %broadcast_in_dim3A_326 : vector<1024x1xi32> to vector<1024x782xi32>
    %eq3A_328 = arith.cmpi eq, %iota3A, %eq3A_327 : vector<1024x782xi32>
    %jit3A_329 = arith.constant -3.000000e+38 : f32
    %broadcast_in_dim3A_330 = vector.broadcast %jit3A_329 : f32 to vector<1024x782xf32>
    %select_n3A_331 = arith.select %eq3A_328, %broadcast_in_dim3A_330, %select_n3A_315 : vector<1024x782xi1>, vector<1024x782xf32>
    %reduce_max3A_332 = arith.constant dense<0xFF800000> : vector<1024xf32>
    %reduce_max3A_333 = vector.multi_reduction <maximumf>, %select_n3A_331, %reduce_max3A_332 [1] : vector<1024x782xf32> to vector<1024xf32>
    %broadcast_in_dim3A_334 = vector.shape_cast %reduce_max3A_333 : vector<1024xf32> to vector<1024x1xf32>
    %eq3A_335 = vector.broadcast %broadcast_in_dim3A_334 : vector<1024x1xf32> to vector<1024x782xf32>
    %eq3A_336 = arith.cmpf oeq, %select_n3A_331, %eq3A_335 : vector<1024x782xf32>
    %jit3A_337 = arith.constant 1073741824 : i32
    %broadcast_in_dim3A_338 = vector.broadcast %jit3A_337 : i32 to vector<1024x782xi32>
    %select_n3A_339 = arith.select %eq3A_336, %iota3A, %broadcast_in_dim3A_338 : vector<1024x782xi1>, vector<1024x782xi32>
    %reduce_min3A_340 = arith.constant dense<2147483647> : vector<1024xi32>
    %reduce_min3A_341 = vector.multi_reduction <minsi>, %select_n3A_339, %reduce_min3A_340 [1] : vector<1024x782xi32> to vector<1024xi32>
    %broadcast_in_dim3A_342 = vector.shape_cast %reduce_min3A_341 : vector<1024xi32> to vector<1024x1xi32>
    %eq3A_343 = vector.broadcast %broadcast_in_dim3A_342 : vector<1024x1xi32> to vector<1024x782xi32>
    %eq3A_344 = arith.cmpi eq, %iota3A, %eq3A_343 : vector<1024x782xi32>
    %jit3A_345 = arith.constant -3.000000e+38 : f32
    %broadcast_in_dim3A_346 = vector.broadcast %jit3A_345 : f32 to vector<1024x782xf32>
    %select_n3A_347 = arith.select %eq3A_344, %broadcast_in_dim3A_346, %select_n3A_331 : vector<1024x782xi1>, vector<1024x782xf32>
    %reduce_max3A_348 = arith.constant dense<0xFF800000> : vector<1024xf32>
    %reduce_max3A_349 = vector.multi_reduction <maximumf>, %select_n3A_347, %reduce_max3A_348 [1] : vector<1024x782xf32> to vector<1024xf32>
    %broadcast_in_dim3A_350 = vector.shape_cast %reduce_max3A_349 : vector<1024xf32> to vector<1024x1xf32>
    %eq3A_351 = vector.broadcast %broadcast_in_dim3A_350 : vector<1024x1xf32> to vector<1024x782xf32>
    %eq3A_352 = arith.cmpf oeq, %select_n3A_347, %eq3A_351 : vector<1024x782xf32>
    %jit3A_353 = arith.constant 1073741824 : i32
    %broadcast_in_dim3A_354 = vector.broadcast %jit3A_353 : i32 to vector<1024x782xi32>
    %select_n3A_355 = arith.select %eq3A_352, %iota3A, %broadcast_in_dim3A_354 : vector<1024x782xi1>, vector<1024x782xi32>
    %reduce_min3A_356 = arith.constant dense<2147483647> : vector<1024xi32>
    %reduce_min3A_357 = vector.multi_reduction <minsi>, %select_n3A_355, %reduce_min3A_356 [1] : vector<1024x782xi32> to vector<1024xi32>
    %broadcast_in_dim3A_358 = vector.shape_cast %reduce_min3A_357 : vector<1024xi32> to vector<1024x1xi32>
    %eq3A_359 = vector.broadcast %broadcast_in_dim3A_358 : vector<1024x1xi32> to vector<1024x782xi32>
    %eq3A_360 = arith.cmpi eq, %iota3A, %eq3A_359 : vector<1024x782xi32>
    %jit3A_361 = arith.constant -3.000000e+38 : f32
    %broadcast_in_dim3A_362 = vector.broadcast %jit3A_361 : f32 to vector<1024x782xf32>
    %select_n3A_363 = arith.select %eq3A_360, %broadcast_in_dim3A_362, %select_n3A_347 : vector<1024x782xi1>, vector<1024x782xf32>
    %reduce_max3A_364 = arith.constant dense<0xFF800000> : vector<1024xf32>
    %reduce_max3A_365 = vector.multi_reduction <maximumf>, %select_n3A_363, %reduce_max3A_364 [1] : vector<1024x782xf32> to vector<1024xf32>
    %broadcast_in_dim3A_366 = vector.shape_cast %reduce_max3A_365 : vector<1024xf32> to vector<1024x1xf32>
    %eq3A_367 = vector.broadcast %broadcast_in_dim3A_366 : vector<1024x1xf32> to vector<1024x782xf32>
    %eq3A_368 = arith.cmpf oeq, %select_n3A_363, %eq3A_367 : vector<1024x782xf32>
    %jit3A_369 = arith.constant 1073741824 : i32
    %broadcast_in_dim3A_370 = vector.broadcast %jit3A_369 : i32 to vector<1024x782xi32>
    %select_n3A_371 = arith.select %eq3A_368, %iota3A, %broadcast_in_dim3A_370 : vector<1024x782xi1>, vector<1024x782xi32>
    %reduce_min3A_372 = arith.constant dense<2147483647> : vector<1024xi32>
    %reduce_min3A_373 = vector.multi_reduction <minsi>, %select_n3A_371, %reduce_min3A_372 [1] : vector<1024x782xi32> to vector<1024xi32>
    %broadcast_in_dim3A_374 = vector.shape_cast %reduce_min3A_373 : vector<1024xi32> to vector<1024x1xi32>
    %eq3A_375 = vector.broadcast %broadcast_in_dim3A_374 : vector<1024x1xi32> to vector<1024x782xi32>
    %eq3A_376 = arith.cmpi eq, %iota3A, %eq3A_375 : vector<1024x782xi32>
    %jit3A_377 = arith.constant -3.000000e+38 : f32
    %broadcast_in_dim3A_378 = vector.broadcast %jit3A_377 : f32 to vector<1024x782xf32>
    %select_n3A_379 = arith.select %eq3A_376, %broadcast_in_dim3A_378, %select_n3A_363 : vector<1024x782xi1>, vector<1024x782xf32>
    %reduce_max3A_380 = arith.constant dense<0xFF800000> : vector<1024xf32>
    %reduce_max3A_381 = vector.multi_reduction <maximumf>, %select_n3A_379, %reduce_max3A_380 [1] : vector<1024x782xf32> to vector<1024xf32>
    %broadcast_in_dim3A_382 = vector.shape_cast %reduce_max3A_381 : vector<1024xf32> to vector<1024x1xf32>
    %eq3A_383 = vector.broadcast %broadcast_in_dim3A_382 : vector<1024x1xf32> to vector<1024x782xf32>
    %eq3A_384 = arith.cmpf oeq, %select_n3A_379, %eq3A_383 : vector<1024x782xf32>
    %jit3A_385 = arith.constant 1073741824 : i32
    %broadcast_in_dim3A_386 = vector.broadcast %jit3A_385 : i32 to vector<1024x782xi32>
    %select_n3A_387 = arith.select %eq3A_384, %iota3A, %broadcast_in_dim3A_386 : vector<1024x782xi1>, vector<1024x782xi32>
    %reduce_min3A_388 = arith.constant dense<2147483647> : vector<1024xi32>
    %reduce_min3A_389 = vector.multi_reduction <minsi>, %select_n3A_387, %reduce_min3A_388 [1] : vector<1024x782xi32> to vector<1024xi32>
    %broadcast_in_dim3A_390 = vector.shape_cast %reduce_min3A_389 : vector<1024xi32> to vector<1024x1xi32>
    %eq3A_391 = vector.broadcast %broadcast_in_dim3A_390 : vector<1024x1xi32> to vector<1024x782xi32>
    %eq3A_392 = arith.cmpi eq, %iota3A, %eq3A_391 : vector<1024x782xi32>
    %jit3A_393 = arith.constant -3.000000e+38 : f32
    %broadcast_in_dim3A_394 = vector.broadcast %jit3A_393 : f32 to vector<1024x782xf32>
    %select_n3A_395 = arith.select %eq3A_392, %broadcast_in_dim3A_394, %select_n3A_379 : vector<1024x782xi1>, vector<1024x782xf32>
    %reduce_max3A_396 = arith.constant dense<0xFF800000> : vector<1024xf32>
    %reduce_max3A_397 = vector.multi_reduction <maximumf>, %select_n3A_395, %reduce_max3A_396 [1] : vector<1024x782xf32> to vector<1024xf32>
    %broadcast_in_dim3A_398 = vector.shape_cast %reduce_max3A_397 : vector<1024xf32> to vector<1024x1xf32>
    %eq3A_399 = vector.broadcast %broadcast_in_dim3A_398 : vector<1024x1xf32> to vector<1024x782xf32>
    %eq3A_400 = arith.cmpf oeq, %select_n3A_395, %eq3A_399 : vector<1024x782xf32>
    %jit3A_401 = arith.constant 1073741824 : i32
    %broadcast_in_dim3A_402 = vector.broadcast %jit3A_401 : i32 to vector<1024x782xi32>
    %select_n3A_403 = arith.select %eq3A_400, %iota3A, %broadcast_in_dim3A_402 : vector<1024x782xi1>, vector<1024x782xi32>
    %reduce_min3A_404 = arith.constant dense<2147483647> : vector<1024xi32>
    %reduce_min3A_405 = vector.multi_reduction <minsi>, %select_n3A_403, %reduce_min3A_404 [1] : vector<1024x782xi32> to vector<1024xi32>
    %broadcast_in_dim3A_406 = vector.shape_cast %reduce_min3A_405 : vector<1024xi32> to vector<1024x1xi32>
    %eq3A_407 = vector.broadcast %broadcast_in_dim3A_406 : vector<1024x1xi32> to vector<1024x782xi32>
    %eq3A_408 = arith.cmpi eq, %iota3A, %eq3A_407 : vector<1024x782xi32>
    %jit3A_409 = arith.constant -3.000000e+38 : f32
    %broadcast_in_dim3A_410 = vector.broadcast %jit3A_409 : f32 to vector<1024x782xf32>
    %select_n3A_411 = arith.select %eq3A_408, %broadcast_in_dim3A_410, %select_n3A_395 : vector<1024x782xi1>, vector<1024x782xf32>
    %reduce_max3A_412 = arith.constant dense<0xFF800000> : vector<1024xf32>
    %reduce_max3A_413 = vector.multi_reduction <maximumf>, %select_n3A_411, %reduce_max3A_412 [1] : vector<1024x782xf32> to vector<1024xf32>
    %broadcast_in_dim3A_414 = vector.shape_cast %reduce_max3A_413 : vector<1024xf32> to vector<1024x1xf32>
    %eq3A_415 = vector.broadcast %broadcast_in_dim3A_414 : vector<1024x1xf32> to vector<1024x782xf32>
    %eq3A_416 = arith.cmpf oeq, %select_n3A_411, %eq3A_415 : vector<1024x782xf32>
    %jit3A_417 = arith.constant 1073741824 : i32
    %broadcast_in_dim3A_418 = vector.broadcast %jit3A_417 : i32 to vector<1024x782xi32>
    %select_n3A_419 = arith.select %eq3A_416, %iota3A, %broadcast_in_dim3A_418 : vector<1024x782xi1>, vector<1024x782xi32>
    %reduce_min3A_420 = arith.constant dense<2147483647> : vector<1024xi32>
    %reduce_min3A_421 = vector.multi_reduction <minsi>, %select_n3A_419, %reduce_min3A_420 [1] : vector<1024x782xi32> to vector<1024xi32>
    %broadcast_in_dim3A_422 = vector.shape_cast %reduce_min3A_421 : vector<1024xi32> to vector<1024x1xi32>
    %eq3A_423 = vector.broadcast %broadcast_in_dim3A_422 : vector<1024x1xi32> to vector<1024x782xi32>
    %eq3A_424 = arith.cmpi eq, %iota3A, %eq3A_423 : vector<1024x782xi32>
    %jit3A_425 = arith.constant -3.000000e+38 : f32
    %broadcast_in_dim3A_426 = vector.broadcast %jit3A_425 : f32 to vector<1024x782xf32>
    %select_n3A_427 = arith.select %eq3A_424, %broadcast_in_dim3A_426, %select_n3A_411 : vector<1024x782xi1>, vector<1024x782xf32>
    %reduce_max3A_428 = arith.constant dense<0xFF800000> : vector<1024xf32>
    %reduce_max3A_429 = vector.multi_reduction <maximumf>, %select_n3A_427, %reduce_max3A_428 [1] : vector<1024x782xf32> to vector<1024xf32>
    %broadcast_in_dim3A_430 = vector.shape_cast %reduce_max3A_429 : vector<1024xf32> to vector<1024x1xf32>
    %eq3A_431 = vector.broadcast %broadcast_in_dim3A_430 : vector<1024x1xf32> to vector<1024x782xf32>
    %eq3A_432 = arith.cmpf oeq, %select_n3A_427, %eq3A_431 : vector<1024x782xf32>
    %jit3A_433 = arith.constant 1073741824 : i32
    %broadcast_in_dim3A_434 = vector.broadcast %jit3A_433 : i32 to vector<1024x782xi32>
    %select_n3A_435 = arith.select %eq3A_432, %iota3A, %broadcast_in_dim3A_434 : vector<1024x782xi1>, vector<1024x782xi32>
    %reduce_min3A_436 = arith.constant dense<2147483647> : vector<1024xi32>
    %reduce_min3A_437 = vector.multi_reduction <minsi>, %select_n3A_435, %reduce_min3A_436 [1] : vector<1024x782xi32> to vector<1024xi32>
    %broadcast_in_dim3A_438 = vector.shape_cast %reduce_min3A_437 : vector<1024xi32> to vector<1024x1xi32>
    %eq3A_439 = vector.broadcast %broadcast_in_dim3A_438 : vector<1024x1xi32> to vector<1024x782xi32>
    %eq3A_440 = arith.cmpi eq, %iota3A, %eq3A_439 : vector<1024x782xi32>
    %jit3A_441 = arith.constant -3.000000e+38 : f32
    %broadcast_in_dim3A_442 = vector.broadcast %jit3A_441 : f32 to vector<1024x782xf32>
    %select_n3A_443 = arith.select %eq3A_440, %broadcast_in_dim3A_442, %select_n3A_427 : vector<1024x782xi1>, vector<1024x782xf32>
    %reduce_max3A_444 = arith.constant dense<0xFF800000> : vector<1024xf32>
    %reduce_max3A_445 = vector.multi_reduction <maximumf>, %select_n3A_443, %reduce_max3A_444 [1] : vector<1024x782xf32> to vector<1024xf32>
    %broadcast_in_dim3A_446 = vector.shape_cast %reduce_max3A_445 : vector<1024xf32> to vector<1024x1xf32>
    %eq3A_447 = vector.broadcast %broadcast_in_dim3A_446 : vector<1024x1xf32> to vector<1024x782xf32>
    %eq3A_448 = arith.cmpf oeq, %select_n3A_443, %eq3A_447 : vector<1024x782xf32>
    %jit3A_449 = arith.constant 1073741824 : i32
    %broadcast_in_dim3A_450 = vector.broadcast %jit3A_449 : i32 to vector<1024x782xi32>
    %select_n3A_451 = arith.select %eq3A_448, %iota3A, %broadcast_in_dim3A_450 : vector<1024x782xi1>, vector<1024x782xi32>
    %reduce_min3A_452 = arith.constant dense<2147483647> : vector<1024xi32>
    %reduce_min3A_453 = vector.multi_reduction <minsi>, %select_n3A_451, %reduce_min3A_452 [1] : vector<1024x782xi32> to vector<1024xi32>
    %broadcast_in_dim3A_454 = vector.shape_cast %reduce_min3A_453 : vector<1024xi32> to vector<1024x1xi32>
    %eq3A_455 = vector.broadcast %broadcast_in_dim3A_454 : vector<1024x1xi32> to vector<1024x782xi32>
    %eq3A_456 = arith.cmpi eq, %iota3A, %eq3A_455 : vector<1024x782xi32>
    %jit3A_457 = arith.constant -3.000000e+38 : f32
    %broadcast_in_dim3A_458 = vector.broadcast %jit3A_457 : f32 to vector<1024x782xf32>
    %select_n3A_459 = arith.select %eq3A_456, %broadcast_in_dim3A_458, %select_n3A_443 : vector<1024x782xi1>, vector<1024x782xf32>
    %reduce_max3A_460 = arith.constant dense<0xFF800000> : vector<1024xf32>
    %reduce_max3A_461 = vector.multi_reduction <maximumf>, %select_n3A_459, %reduce_max3A_460 [1] : vector<1024x782xf32> to vector<1024xf32>
    %broadcast_in_dim3A_462 = vector.shape_cast %reduce_max3A_461 : vector<1024xf32> to vector<1024x1xf32>
    %eq3A_463 = vector.broadcast %broadcast_in_dim3A_462 : vector<1024x1xf32> to vector<1024x782xf32>
    %eq3A_464 = arith.cmpf oeq, %select_n3A_459, %eq3A_463 : vector<1024x782xf32>
    %jit3A_465 = arith.constant 1073741824 : i32
    %broadcast_in_dim3A_466 = vector.broadcast %jit3A_465 : i32 to vector<1024x782xi32>
    %select_n3A_467 = arith.select %eq3A_464, %iota3A, %broadcast_in_dim3A_466 : vector<1024x782xi1>, vector<1024x782xi32>
    %reduce_min3A_468 = arith.constant dense<2147483647> : vector<1024xi32>
    %reduce_min3A_469 = vector.multi_reduction <minsi>, %select_n3A_467, %reduce_min3A_468 [1] : vector<1024x782xi32> to vector<1024xi32>
    %broadcast_in_dim3A_470 = vector.shape_cast %reduce_min3A_469 : vector<1024xi32> to vector<1024x1xi32>
    %concatenate3A = tpu.concatenate %broadcast_in_dim3A_6, %broadcast_in_dim3A_22, %broadcast_in_dim3A_38, %broadcast_in_dim3A_54, %broadcast_in_dim3A_70, %broadcast_in_dim3A_86, %broadcast_in_dim3A_102, %broadcast_in_dim3A_118, %broadcast_in_dim3A_134, %broadcast_in_dim3A_150, %broadcast_in_dim3A_166, %broadcast_in_dim3A_182, %broadcast_in_dim3A_198, %broadcast_in_dim3A_214, %broadcast_in_dim3A_230, %broadcast_in_dim3A_246, %broadcast_in_dim3A_262, %broadcast_in_dim3A_278, %broadcast_in_dim3A_294, %broadcast_in_dim3A_310, %broadcast_in_dim3A_326, %broadcast_in_dim3A_342, %broadcast_in_dim3A_358, %broadcast_in_dim3A_374, %broadcast_in_dim3A_390, %broadcast_in_dim3A_406, %broadcast_in_dim3A_422, %broadcast_in_dim3A_438, %broadcast_in_dim3A_454, %broadcast_in_dim3A_470 in 1 : vector<1024x1xi32>, vector<1024x1xi32>, vector<1024x1xi32>, vector<1024x1xi32>, vector<1024x1xi32>, vector<1024x1xi32>, vector<1024x1xi32>, vector<1024x1xi32>, vector<1024x1xi32>, vector<1024x1xi32>, vector<1024x1xi32>, vector<1024x1xi32>, vector<1024x1xi32>, vector<1024x1xi32>, vector<1024x1xi32>, vector<1024x1xi32>, vector<1024x1xi32>, vector<1024x1xi32>, vector<1024x1xi32>, vector<1024x1xi32>, vector<1024x1xi32>, vector<1024x1xi32>, vector<1024x1xi32>, vector<1024x1xi32>, vector<1024x1xi32>, vector<1024x1xi32>, vector<1024x1xi32>, vector<1024x1xi32>, vector<1024x1xi32>, vector<1024x1xi32> -> vector<1024x30xi32>
    %swap3A = arith.constant 0 : index
    %swap3A_471 = arith.constant 0 : index
    %swap3A_472 = vector.load %arg2[%swap3A, %swap3A_471] : memref<1024x30xi32, #tpu.memory_space<vmem>>, vector<1024x30xi32>
    tpu.vector_store %arg2[%swap3A, %swap3A_471], %concatenate3A {strides = array<i32>} : memref<1024x30xi32, #tpu.memory_space<vmem>>, vector<1024x30xi32>,
    %iota3A_473 = tpu.iota {dimensions = array<i32: 0>} : vector<1024x30xi32>
    %mul3A = arith.constant 782 : i32
    %mul3A_474 = vector.broadcast %mul3A : i32 to vector<1024x30xi32>
    %mul3A_475 = arith.muli %iota3A_473, %mul3A_474 : vector<1024x30xi32>
    %add3A = arith.addi %mul3A_475, %concatenate3A : vector<1024x30xi32>
    %swap3A_476 = arith.constant 0 : index
    %swap3A_477 = arith.constant 0 : index
    %swap3A_478 = vector.load %arg3[%swap3A_476, %swap3A_477] : memref<1024x30xi32, #tpu.memory_space<vmem>>, vector<1024x30xi32>
    tpu.vector_store %arg3[%swap3A_476, %swap3A_477], %add3A {strides = array<i32>} : memref<1024x30xi32, #tpu.memory_space<vmem>>, vector<1024x30xi32>,
    return
  }
  func.func @transform_0(%arg0: i32) -> (i32, i32) {
    %c0_i32 = arith.constant 0 : i32
    %c0_i32_0 = arith.constant 0 : i32
    %c0_i32_1 = arith.constant 0 : i32
    return %c0_i32, %c0_i32_0 : i32, i32
  }
  func.func @transform_1(%arg0: i32) -> (i32, i32) {
    %c0_i32 = arith.constant 0 : i32
    %c0_i32_0 = arith.constant 0 : i32
    %c0_i32_1 = arith.constant 0 : i32
    return %c0_i32, %c0_i32_0 : i32, i32
  }
  func.func @transform_2(%arg0: i32) -> (i32, i32) {
    %c0_i32 = arith.constant 0 : i32
    %c0_i32_0 = arith.constant 0 : i32
    %c0_i32_1 = arith.constant 0 : i32
    return %c0_i32, %c0_i32_0 : i32, i32
  }
}

module attributes {stable_mosaic.version = 14 : i64} {
  func.func @_chunkmax_body(%arg0: i32, %arg1: memref<16x100096xf32, #tpu.memory_space<vmem>>, %arg2: memref<16x782xf32, #tpu.memory_space<vmem>>, %arg3: memref<12512x128xf32, #tpu.memory_space<vmem>>) attributes {dimension_semantics = [#tpu.dimension_semantics<arbitrary>], iteration_bounds = array<i64: 64>, scalar_prefetch = 0 : i64, scratch_operands = 0 : i64, tpu.core_type = #tpu.core_type<tc>, window_params = [{transform_indices = @transform_0, window_bounds = array<i64: 16, 100096>}, {transform_indices = @transform_1, window_bounds = array<i64: 16, 782>}, {transform_indices = @transform_2, window_bounds = array<i64: 12512, 128>}]} {
    %get3A = arith.constant 0 : index
    %get3A_0 = arith.constant 0 : index
    %get3A_1 = vector.load %arg1[%get3A, %get3A_0] : memref<16x100096xf32, #tpu.memory_space<vmem>>, vector<16x100096xf32>
    %slice3A = vector.extract_strided_slice %get3A_1 {offsets = [0, 0], sizes = [16, 99968], strides = [1, 1]} : vector<16x100096xf32> to vector<16x99968xf32>
    %slice3A_2 = vector.extract_strided_slice %get3A_1 {offsets = [0, 99968], sizes = [16, 128], strides = [1, 1]} : vector<16x100096xf32> to vector<16x128xf32>
    %iota3A = tpu.iota {dimensions = array<i32: 1>} : vector<16x128xi32>
    %lt3A = arith.constant 32 : i32
    %lt3A_3 = vector.broadcast %lt3A : i32 to vector<16x128xi32>
    %lt3A_4 = arith.cmpi slt, %iota3A, %lt3A_3 : vector<16x128xi32>
    %jit3A = arith.constant -3.000000e+38 : f32
    %broadcast_in_dim3A = vector.broadcast %jit3A : f32 to vector<16x128xf32>
    %select_n3A = arith.select %lt3A_4, %slice3A_2, %broadcast_in_dim3A : vector<16x128xi1>, vector<16x128xf32>
    %reshape3A = vector.shape_cast %slice3A : vector<16x99968xf32> to vector<16x781x128xf32>
    %reshape3A_5 = vector.shape_cast %select_n3A : vector<16x128xf32> to vector<16x1x128xf32>
    %concatenate3A = tpu.concatenate %reshape3A, %reshape3A_5 in 1 : vector<16x781x128xf32>, vector<16x1x128xf32> -> vector<16x782x128xf32>
    %reduce_max3A = arith.constant dense<0xFF800000> : vector<16x782xf32>
    %reduce_max3A_6 = vector.multi_reduction <maximumf>, %concatenate3A, %reduce_max3A [2] : vector<16x782x128xf32> to vector<16x782xf32>
    %swap3A = arith.constant 0 : index
    %swap3A_7 = arith.constant 0 : index
    %swap3A_8 = vector.load %arg2[%swap3A, %swap3A_7] : memref<16x782xf32, #tpu.memory_space<vmem>>, vector<16x782xf32>
    tpu.vector_store %arg2[%swap3A, %swap3A_7], %reduce_max3A_6 {strides = array<i32>} : memref<16x782xf32, #tpu.memory_space<vmem>>, vector<16x782xf32>,
    %reshape3A_9 = vector.shape_cast %concatenate3A : vector<16x782x128xf32> to vector<12512x128xf32>
    %swap3A_10 = arith.constant 0 : index
    %swap3A_11 = arith.constant 0 : index
    %swap3A_12 = vector.load %arg3[%swap3A_10, %swap3A_11] : memref<12512x128xf32, #tpu.memory_space<vmem>>, vector<12512x128xf32>
    tpu.vector_store %arg3[%swap3A_10, %swap3A_11], %reshape3A_9 {strides = array<i32>} : memref<12512x128xf32, #tpu.memory_space<vmem>>, vector<12512x128xf32>,
    return
  }
  func.func @transform_0(%arg0: i32) -> (i32, i32) {
    %c0_i32 = arith.constant 0 : i32
    %c0_i32_0 = arith.constant 0 : i32
    return %arg0, %c0_i32 : i32, i32
  }
  func.func @transform_1(%arg0: i32) -> (i32, i32) {
    %c0_i32 = arith.constant 0 : i32
    %c0_i32_0 = arith.constant 0 : i32
    return %arg0, %c0_i32 : i32, i32
  }
  func.func @transform_2(%arg0: i32) -> (i32, i32) {
    %c0_i32 = arith.constant 0 : i32
    %c0_i32_0 = arith.constant 0 : i32
    return %arg0, %c0_i32 : i32, i32
  }
}

module attributes {stable_mosaic.version = 14 : i64} {
  func.func @_extract_body(%arg0: i32, %arg1: memref<128x3840xf32, #tpu.memory_space<vmem>>, %arg2: memref<128x30xi32, #tpu.memory_space<vmem>>, %arg3: memref<128x30xi32, #tpu.memory_space<vmem>>) attributes {dimension_semantics = [#tpu.dimension_semantics<arbitrary>], iteration_bounds = array<i64: 8>, scalar_prefetch = 0 : i64, scratch_operands = 0 : i64, tpu.core_type = #tpu.core_type<tc>, window_params = [{transform_indices = @transform_0, window_bounds = array<i64: 128, 3840>}, {transform_indices = @transform_1, window_bounds = array<i64: 128, 30>}, {transform_indices = @transform_2, window_bounds = array<i64: 128, 30>}]} {
    %get3A = arith.constant 0 : index
    %get3A_0 = arith.constant 0 : index
    %get3A_1 = vector.load %arg1[%get3A, %get3A_0] : memref<128x3840xf32, #tpu.memory_space<vmem>>, vector<128x3840xf32>
    %get3A_2 = arith.constant 0 : index
    %get3A_3 = arith.constant 0 : index
    %get3A_4 = vector.load %arg2[%get3A_2, %get3A_3] : memref<128x30xi32, #tpu.memory_space<vmem>>, vector<128x30xi32>
    %iota3A = tpu.iota {dimensions = array<i32: 0>} : vector<30x3840xi32>
    %iota3A_5 = tpu.iota {dimensions = array<i32: 1>} : vector<30x3840xi32>
    %jit3A = arith.constant 128 : i32
    %div3A = vector.broadcast %jit3A : i32 to vector<30x3840xi32>
    %div3A_6 = arith.divsi %iota3A_5, %div3A : vector<30x3840xi32>
    %sign3A = arith.constant 0 : i32
    %sign3A_7 = vector.broadcast %sign3A : i32 to vector<30x3840xi32>
    %sign3A_8 = arith.cmpi sgt, %iota3A_5, %sign3A_7 : vector<30x3840xi32>
    %sign3A_9 = arith.extui %sign3A_8 : vector<30x3840xi1> to vector<30x3840xi32>
    %sign3A_10 = arith.constant 0 : i32
    %sign3A_11 = vector.broadcast %sign3A_10 : i32 to vector<30x3840xi32>
    %sign3A_12 = arith.cmpi slt, %iota3A_5, %sign3A_11 : vector<30x3840xi32>
    %sign3A_13 = arith.extui %sign3A_12 : vector<30x3840xi1> to vector<30x3840xi32>
    %sign3A_14 = arith.subi %sign3A_9, %sign3A_13 : vector<30x3840xi32>
    %sign3A_15 = arith.constant 0 : i32
    %sign3A_16 = arith.cmpi sgt, %jit3A, %sign3A_15 : i32
    %sign3A_17 = arith.extui %sign3A_16 : i1 to i32
    %sign3A_18 = arith.constant 0 : i32
    %sign3A_19 = arith.cmpi slt, %jit3A, %sign3A_18 : i32
    %sign3A_20 = arith.extui %sign3A_19 : i1 to i32
    %sign3A_21 = arith.subi %sign3A_17, %sign3A_20 : i32
    %ne3A = vector.broadcast %sign3A_21 : i32 to vector<30x3840xi32>
    %ne3A_22 = arith.cmpi ne, %sign3A_14, %ne3A : vector<30x3840xi32>
    %rem3A = vector.broadcast %jit3A : i32 to vector<30x3840xi32>
    %rem3A_23 = arith.remsi %iota3A_5, %rem3A : vector<30x3840xi32>
    %ne3A_24 = arith.constant 0 : i32
    %ne3A_25 = vector.broadcast %ne3A_24 : i32 to vector<30x3840xi32>
    %ne3A_26 = arith.cmpi ne, %rem3A_23, %ne3A_25 : vector<30x3840xi32>
    %and3A = arith.andi %ne3A_22, %ne3A_26 : vector<30x3840xi1>
    %sub3A = arith.constant 1 : i32
    %sub3A_27 = vector.broadcast %sub3A : i32 to vector<30x3840xi32>
    %sub3A_28 = arith.subi %div3A_6, %sub3A_27 : vector<30x3840xi32>
    %select_n3A = arith.select %and3A, %sub3A_28, %div3A_6 : vector<30x3840xi1>, vector<30x3840xi32>
    %eq3A = arith.cmpi eq, %iota3A, %select_n3A : vector<30x3840xi32>
    %convert_element_type3A = arith.extui %eq3A : vector<30x3840xi1> to vector<30x3840xi32>
    %convert_element_type3A_29 = arith.sitofp %convert_element_type3A : vector<30x3840xi32> to vector<30x3840xf32>
    %mul3A = arith.constant 128 : i32
    %mul3A_30 = vector.broadcast %mul3A : i32 to vector<128x30xi32>
    %mul3A_31 = arith.muli %get3A_4, %mul3A_30 : vector<128x30xi32>
    %convert_element_type3A_32 = arith.sitofp %mul3A_31 : vector<128x30xi32> to vector<128x30xf32>
    %dot_general3A = arith.constant dense<0.000000e+00> : vector<128x3840xf32>
    %dot_general3A_33 = tpu.matmul %convert_element_type3A_32, %convert_element_type3A_29, %dot_general3A {dimension_numbers = #tpu.dot_dimension_numbers<[1], [0], [0], [1], [0, 0, 1, 1], [], []>, precision = #tpu.contract_precision<fp32>, transpose_lhs_hint = false} : vector<128x30xf32>, vector<30x3840xf32>, vector<128x3840xf32> -> vector<128x3840xf32>
    %iota3A_34 = tpu.iota {dimensions = array<i32: 1>} : vector<1x3840xi32>
    %and3A_35 = arith.constant 127 : i32
    %and3A_36 = vector.broadcast %and3A_35 : i32 to vector<1x3840xi32>
    %and3A_37 = arith.andi %iota3A_34, %and3A_36 : vector<1x3840xi32>
    %convert_element_type3A_38 = arith.sitofp %and3A_37 : vector<1x3840xi32> to vector<1x3840xf32>
    %add3A = vector.broadcast %convert_element_type3A_38 : vector<1x3840xf32> to vector<128x3840xf32>
    %add3A_39 = arith.addf %dot_general3A_33, %add3A : vector<128x3840xf32>
    %reduce_max3A = arith.constant dense<0xFF800000> : vector<128xf32>
    %reduce_max3A_40 = vector.multi_reduction <maximumf>, %get3A_1, %reduce_max3A [1] : vector<128x3840xf32> to vector<128xf32>
    %broadcast_in_dim3A = vector.shape_cast %reduce_max3A_40 : vector<128xf32> to vector<128x1xf32>
    %eq3A_41 = vector.broadcast %broadcast_in_dim3A : vector<128x1xf32> to vector<128x3840xf32>
    %eq3A_42 = arith.cmpf oeq, %get3A_1, %eq3A_41 : vector<128x3840xf32>
    %jit3A_43 = arith.constant 1.000000e+09 : f32
    %broadcast_in_dim3A_44 = vector.broadcast %jit3A_43 : f32 to vector<128x3840xf32>
    %select_n3A_45 = arith.select %eq3A_42, %add3A_39, %broadcast_in_dim3A_44 : vector<128x3840xi1>, vector<128x3840xf32>
    %reduce_min3A = arith.constant dense<0x7F800000> : vector<128xf32>
    %reduce_min3A_46 = vector.multi_reduction <minimumf>, %select_n3A_45, %reduce_min3A [1] : vector<128x3840xf32> to vector<128xf32>
    %broadcast_in_dim3A_47 = vector.shape_cast %reduce_min3A_46 : vector<128xf32> to vector<128x1xf32>
    %eq3A_48 = vector.broadcast %broadcast_in_dim3A_47 : vector<128x1xf32> to vector<128x3840xf32>
    %eq3A_49 = arith.cmpf oeq, %add3A_39, %eq3A_48 : vector<128x3840xf32>
    %jit3A_50 = arith.constant -3.000000e+38 : f32
    %broadcast_in_dim3A_51 = vector.broadcast %jit3A_50 : f32 to vector<128x3840xf32>
    %select_n3A_52 = arith.select %eq3A_49, %broadcast_in_dim3A_51, %get3A_1 : vector<128x3840xi1>, vector<128x3840xf32>
    %reduce_max3A_53 = arith.constant dense<0xFF800000> : vector<128xf32>
    %reduce_max3A_54 = vector.multi_reduction <maximumf>, %select_n3A_52, %reduce_max3A_53 [1] : vector<128x3840xf32> to vector<128xf32>
    %broadcast_in_dim3A_55 = vector.shape_cast %reduce_max3A_54 : vector<128xf32> to vector<128x1xf32>
    %eq3A_56 = vector.broadcast %broadcast_in_dim3A_55 : vector<128x1xf32> to vector<128x3840xf32>
    %eq3A_57 = arith.cmpf oeq, %select_n3A_52, %eq3A_56 : vector<128x3840xf32>
    %jit3A_58 = arith.constant 1.000000e+09 : f32
    %broadcast_in_dim3A_59 = vector.broadcast %jit3A_58 : f32 to vector<128x3840xf32>
    %select_n3A_60 = arith.select %eq3A_57, %add3A_39, %broadcast_in_dim3A_59 : vector<128x3840xi1>, vector<128x3840xf32>
    %reduce_min3A_61 = arith.constant dense<0x7F800000> : vector<128xf32>
    %reduce_min3A_62 = vector.multi_reduction <minimumf>, %select_n3A_60, %reduce_min3A_61 [1] : vector<128x3840xf32> to vector<128xf32>
    %broadcast_in_dim3A_63 = vector.shape_cast %reduce_min3A_62 : vector<128xf32> to vector<128x1xf32>
    %eq3A_64 = vector.broadcast %broadcast_in_dim3A_63 : vector<128x1xf32> to vector<128x3840xf32>
    %eq3A_65 = arith.cmpf oeq, %add3A_39, %eq3A_64 : vector<128x3840xf32>
    %jit3A_66 = arith.constant -3.000000e+38 : f32
    %broadcast_in_dim3A_67 = vector.broadcast %jit3A_66 : f32 to vector<128x3840xf32>
    %select_n3A_68 = arith.select %eq3A_65, %broadcast_in_dim3A_67, %select_n3A_52 : vector<128x3840xi1>, vector<128x3840xf32>
    %reduce_max3A_69 = arith.constant dense<0xFF800000> : vector<128xf32>
    %reduce_max3A_70 = vector.multi_reduction <maximumf>, %select_n3A_68, %reduce_max3A_69 [1] : vector<128x3840xf32> to vector<128xf32>
    %broadcast_in_dim3A_71 = vector.shape_cast %reduce_max3A_70 : vector<128xf32> to vector<128x1xf32>
    %eq3A_72 = vector.broadcast %broadcast_in_dim3A_71 : vector<128x1xf32> to vector<128x3840xf32>
    %eq3A_73 = arith.cmpf oeq, %select_n3A_68, %eq3A_72 : vector<128x3840xf32>
    %jit3A_74 = arith.constant 1.000000e+09 : f32
    %broadcast_in_dim3A_75 = vector.broadcast %jit3A_74 : f32 to vector<128x3840xf32>
    %select_n3A_76 = arith.select %eq3A_73, %add3A_39, %broadcast_in_dim3A_75 : vector<128x3840xi1>, vector<128x3840xf32>
    %reduce_min3A_77 = arith.constant dense<0x7F800000> : vector<128xf32>
    %reduce_min3A_78 = vector.multi_reduction <minimumf>, %select_n3A_76, %reduce_min3A_77 [1] : vector<128x3840xf32> to vector<128xf32>
    %broadcast_in_dim3A_79 = vector.shape_cast %reduce_min3A_78 : vector<128xf32> to vector<128x1xf32>
    %eq3A_80 = vector.broadcast %broadcast_in_dim3A_79 : vector<128x1xf32> to vector<128x3840xf32>
    %eq3A_81 = arith.cmpf oeq, %add3A_39, %eq3A_80 : vector<128x3840xf32>
    %jit3A_82 = arith.constant -3.000000e+38 : f32
    %broadcast_in_dim3A_83 = vector.broadcast %jit3A_82 : f32 to vector<128x3840xf32>
    %select_n3A_84 = arith.select %eq3A_81, %broadcast_in_dim3A_83, %select_n3A_68 : vector<128x3840xi1>, vector<128x3840xf32>
    %reduce_max3A_85 = arith.constant dense<0xFF800000> : vector<128xf32>
    %reduce_max3A_86 = vector.multi_reduction <maximumf>, %select_n3A_84, %reduce_max3A_85 [1] : vector<128x3840xf32> to vector<128xf32>
    %broadcast_in_dim3A_87 = vector.shape_cast %reduce_max3A_86 : vector<128xf32> to vector<128x1xf32>
    %eq3A_88 = vector.broadcast %broadcast_in_dim3A_87 : vector<128x1xf32> to vector<128x3840xf32>
    %eq3A_89 = arith.cmpf oeq, %select_n3A_84, %eq3A_88 : vector<128x3840xf32>
    %jit3A_90 = arith.constant 1.000000e+09 : f32
    %broadcast_in_dim3A_91 = vector.broadcast %jit3A_90 : f32 to vector<128x3840xf32>
    %select_n3A_92 = arith.select %eq3A_89, %add3A_39, %broadcast_in_dim3A_91 : vector<128x3840xi1>, vector<128x3840xf32>
    %reduce_min3A_93 = arith.constant dense<0x7F800000> : vector<128xf32>
    %reduce_min3A_94 = vector.multi_reduction <minimumf>, %select_n3A_92, %reduce_min3A_93 [1] : vector<128x3840xf32> to vector<128xf32>
    %broadcast_in_dim3A_95 = vector.shape_cast %reduce_min3A_94 : vector<128xf32> to vector<128x1xf32>
    %eq3A_96 = vector.broadcast %broadcast_in_dim3A_95 : vector<128x1xf32> to vector<128x3840xf32>
    %eq3A_97 = arith.cmpf oeq, %add3A_39, %eq3A_96 : vector<128x3840xf32>
    %jit3A_98 = arith.constant -3.000000e+38 : f32
    %broadcast_in_dim3A_99 = vector.broadcast %jit3A_98 : f32 to vector<128x3840xf32>
    %select_n3A_100 = arith.select %eq3A_97, %broadcast_in_dim3A_99, %select_n3A_84 : vector<128x3840xi1>, vector<128x3840xf32>
    %reduce_max3A_101 = arith.constant dense<0xFF800000> : vector<128xf32>
    %reduce_max3A_102 = vector.multi_reduction <maximumf>, %select_n3A_100, %reduce_max3A_101 [1] : vector<128x3840xf32> to vector<128xf32>
    %broadcast_in_dim3A_103 = vector.shape_cast %reduce_max3A_102 : vector<128xf32> to vector<128x1xf32>
    %eq3A_104 = vector.broadcast %broadcast_in_dim3A_103 : vector<128x1xf32> to vector<128x3840xf32>
    %eq3A_105 = arith.cmpf oeq, %select_n3A_100, %eq3A_104 : vector<128x3840xf32>
    %jit3A_106 = arith.constant 1.000000e+09 : f32
    %broadcast_in_dim3A_107 = vector.broadcast %jit3A_106 : f32 to vector<128x3840xf32>
    %select_n3A_108 = arith.select %eq3A_105, %add3A_39, %broadcast_in_dim3A_107 : vector<128x3840xi1>, vector<128x3840xf32>
    %reduce_min3A_109 = arith.constant dense<0x7F800000> : vector<128xf32>
    %reduce_min3A_110 = vector.multi_reduction <minimumf>, %select_n3A_108, %reduce_min3A_109 [1] : vector<128x3840xf32> to vector<128xf32>
    %broadcast_in_dim3A_111 = vector.shape_cast %reduce_min3A_110 : vector<128xf32> to vector<128x1xf32>
    %eq3A_112 = vector.broadcast %broadcast_in_dim3A_111 : vector<128x1xf32> to vector<128x3840xf32>
    %eq3A_113 = arith.cmpf oeq, %add3A_39, %eq3A_112 : vector<128x3840xf32>
    %jit3A_114 = arith.constant -3.000000e+38 : f32
    %broadcast_in_dim3A_115 = vector.broadcast %jit3A_114 : f32 to vector<128x3840xf32>
    %select_n3A_116 = arith.select %eq3A_113, %broadcast_in_dim3A_115, %select_n3A_100 : vector<128x3840xi1>, vector<128x3840xf32>
    %reduce_max3A_117 = arith.constant dense<0xFF800000> : vector<128xf32>
    %reduce_max3A_118 = vector.multi_reduction <maximumf>, %select_n3A_116, %reduce_max3A_117 [1] : vector<128x3840xf32> to vector<128xf32>
    %broadcast_in_dim3A_119 = vector.shape_cast %reduce_max3A_118 : vector<128xf32> to vector<128x1xf32>
    %eq3A_120 = vector.broadcast %broadcast_in_dim3A_119 : vector<128x1xf32> to vector<128x3840xf32>
    %eq3A_121 = arith.cmpf oeq, %select_n3A_116, %eq3A_120 : vector<128x3840xf32>
    %jit3A_122 = arith.constant 1.000000e+09 : f32
    %broadcast_in_dim3A_123 = vector.broadcast %jit3A_122 : f32 to vector<128x3840xf32>
    %select_n3A_124 = arith.select %eq3A_121, %add3A_39, %broadcast_in_dim3A_123 : vector<128x3840xi1>, vector<128x3840xf32>
    %reduce_min3A_125 = arith.constant dense<0x7F800000> : vector<128xf32>
    %reduce_min3A_126 = vector.multi_reduction <minimumf>, %select_n3A_124, %reduce_min3A_125 [1] : vector<128x3840xf32> to vector<128xf32>
    %broadcast_in_dim3A_127 = vector.shape_cast %reduce_min3A_126 : vector<128xf32> to vector<128x1xf32>
    %eq3A_128 = vector.broadcast %broadcast_in_dim3A_127 : vector<128x1xf32> to vector<128x3840xf32>
    %eq3A_129 = arith.cmpf oeq, %add3A_39, %eq3A_128 : vector<128x3840xf32>
    %jit3A_130 = arith.constant -3.000000e+38 : f32
    %broadcast_in_dim3A_131 = vector.broadcast %jit3A_130 : f32 to vector<128x3840xf32>
    %select_n3A_132 = arith.select %eq3A_129, %broadcast_in_dim3A_131, %select_n3A_116 : vector<128x3840xi1>, vector<128x3840xf32>
    %reduce_max3A_133 = arith.constant dense<0xFF800000> : vector<128xf32>
    %reduce_max3A_134 = vector.multi_reduction <maximumf>, %select_n3A_132, %reduce_max3A_133 [1] : vector<128x3840xf32> to vector<128xf32>
    %broadcast_in_dim3A_135 = vector.shape_cast %reduce_max3A_134 : vector<128xf32> to vector<128x1xf32>
    %eq3A_136 = vector.broadcast %broadcast_in_dim3A_135 : vector<128x1xf32> to vector<128x3840xf32>
    %eq3A_137 = arith.cmpf oeq, %select_n3A_132, %eq3A_136 : vector<128x3840xf32>
    %jit3A_138 = arith.constant 1.000000e+09 : f32
    %broadcast_in_dim3A_139 = vector.broadcast %jit3A_138 : f32 to vector<128x3840xf32>
    %select_n3A_140 = arith.select %eq3A_137, %add3A_39, %broadcast_in_dim3A_139 : vector<128x3840xi1>, vector<128x3840xf32>
    %reduce_min3A_141 = arith.constant dense<0x7F800000> : vector<128xf32>
    %reduce_min3A_142 = vector.multi_reduction <minimumf>, %select_n3A_140, %reduce_min3A_141 [1] : vector<128x3840xf32> to vector<128xf32>
    %broadcast_in_dim3A_143 = vector.shape_cast %reduce_min3A_142 : vector<128xf32> to vector<128x1xf32>
    %eq3A_144 = vector.broadcast %broadcast_in_dim3A_143 : vector<128x1xf32> to vector<128x3840xf32>
    %eq3A_145 = arith.cmpf oeq, %add3A_39, %eq3A_144 : vector<128x3840xf32>
    %jit3A_146 = arith.constant -3.000000e+38 : f32
    %broadcast_in_dim3A_147 = vector.broadcast %jit3A_146 : f32 to vector<128x3840xf32>
    %select_n3A_148 = arith.select %eq3A_145, %broadcast_in_dim3A_147, %select_n3A_132 : vector<128x3840xi1>, vector<128x3840xf32>
    %reduce_max3A_149 = arith.constant dense<0xFF800000> : vector<128xf32>
    %reduce_max3A_150 = vector.multi_reduction <maximumf>, %select_n3A_148, %reduce_max3A_149 [1] : vector<128x3840xf32> to vector<128xf32>
    %broadcast_in_dim3A_151 = vector.shape_cast %reduce_max3A_150 : vector<128xf32> to vector<128x1xf32>
    %eq3A_152 = vector.broadcast %broadcast_in_dim3A_151 : vector<128x1xf32> to vector<128x3840xf32>
    %eq3A_153 = arith.cmpf oeq, %select_n3A_148, %eq3A_152 : vector<128x3840xf32>
    %jit3A_154 = arith.constant 1.000000e+09 : f32
    %broadcast_in_dim3A_155 = vector.broadcast %jit3A_154 : f32 to vector<128x3840xf32>
    %select_n3A_156 = arith.select %eq3A_153, %add3A_39, %broadcast_in_dim3A_155 : vector<128x3840xi1>, vector<128x3840xf32>
    %reduce_min3A_157 = arith.constant dense<0x7F800000> : vector<128xf32>
    %reduce_min3A_158 = vector.multi_reduction <minimumf>, %select_n3A_156, %reduce_min3A_157 [1] : vector<128x3840xf32> to vector<128xf32>
    %broadcast_in_dim3A_159 = vector.shape_cast %reduce_min3A_158 : vector<128xf32> to vector<128x1xf32>
    %eq3A_160 = vector.broadcast %broadcast_in_dim3A_159 : vector<128x1xf32> to vector<128x3840xf32>
    %eq3A_161 = arith.cmpf oeq, %add3A_39, %eq3A_160 : vector<128x3840xf32>
    %jit3A_162 = arith.constant -3.000000e+38 : f32
    %broadcast_in_dim3A_163 = vector.broadcast %jit3A_162 : f32 to vector<128x3840xf32>
    %select_n3A_164 = arith.select %eq3A_161, %broadcast_in_dim3A_163, %select_n3A_148 : vector<128x3840xi1>, vector<128x3840xf32>
    %reduce_max3A_165 = arith.constant dense<0xFF800000> : vector<128xf32>
    %reduce_max3A_166 = vector.multi_reduction <maximumf>, %select_n3A_164, %reduce_max3A_165 [1] : vector<128x3840xf32> to vector<128xf32>
    %broadcast_in_dim3A_167 = vector.shape_cast %reduce_max3A_166 : vector<128xf32> to vector<128x1xf32>
    %eq3A_168 = vector.broadcast %broadcast_in_dim3A_167 : vector<128x1xf32> to vector<128x3840xf32>
    %eq3A_169 = arith.cmpf oeq, %select_n3A_164, %eq3A_168 : vector<128x3840xf32>
    %jit3A_170 = arith.constant 1.000000e+09 : f32
    %broadcast_in_dim3A_171 = vector.broadcast %jit3A_170 : f32 to vector<128x3840xf32>
    %select_n3A_172 = arith.select %eq3A_169, %add3A_39, %broadcast_in_dim3A_171 : vector<128x3840xi1>, vector<128x3840xf32>
    %reduce_min3A_173 = arith.constant dense<0x7F800000> : vector<128xf32>
    %reduce_min3A_174 = vector.multi_reduction <minimumf>, %select_n3A_172, %reduce_min3A_173 [1] : vector<128x3840xf32> to vector<128xf32>
    %broadcast_in_dim3A_175 = vector.shape_cast %reduce_min3A_174 : vector<128xf32> to vector<128x1xf32>
    %eq3A_176 = vector.broadcast %broadcast_in_dim3A_175 : vector<128x1xf32> to vector<128x3840xf32>
    %eq3A_177 = arith.cmpf oeq, %add3A_39, %eq3A_176 : vector<128x3840xf32>
    %jit3A_178 = arith.constant -3.000000e+38 : f32
    %broadcast_in_dim3A_179 = vector.broadcast %jit3A_178 : f32 to vector<128x3840xf32>
    %select_n3A_180 = arith.select %eq3A_177, %broadcast_in_dim3A_179, %select_n3A_164 : vector<128x3840xi1>, vector<128x3840xf32>
    %reduce_max3A_181 = arith.constant dense<0xFF800000> : vector<128xf32>
    %reduce_max3A_182 = vector.multi_reduction <maximumf>, %select_n3A_180, %reduce_max3A_181 [1] : vector<128x3840xf32> to vector<128xf32>
    %broadcast_in_dim3A_183 = vector.shape_cast %reduce_max3A_182 : vector<128xf32> to vector<128x1xf32>
    %eq3A_184 = vector.broadcast %broadcast_in_dim3A_183 : vector<128x1xf32> to vector<128x3840xf32>
    %eq3A_185 = arith.cmpf oeq, %select_n3A_180, %eq3A_184 : vector<128x3840xf32>
    %jit3A_186 = arith.constant 1.000000e+09 : f32
    %broadcast_in_dim3A_187 = vector.broadcast %jit3A_186 : f32 to vector<128x3840xf32>
    %select_n3A_188 = arith.select %eq3A_185, %add3A_39, %broadcast_in_dim3A_187 : vector<128x3840xi1>, vector<128x3840xf32>
    %reduce_min3A_189 = arith.constant dense<0x7F800000> : vector<128xf32>
    %reduce_min3A_190 = vector.multi_reduction <minimumf>, %select_n3A_188, %reduce_min3A_189 [1] : vector<128x3840xf32> to vector<128xf32>
    %broadcast_in_dim3A_191 = vector.shape_cast %reduce_min3A_190 : vector<128xf32> to vector<128x1xf32>
    %eq3A_192 = vector.broadcast %broadcast_in_dim3A_191 : vector<128x1xf32> to vector<128x3840xf32>
    %eq3A_193 = arith.cmpf oeq, %add3A_39, %eq3A_192 : vector<128x3840xf32>
    %jit3A_194 = arith.constant -3.000000e+38 : f32
    %broadcast_in_dim3A_195 = vector.broadcast %jit3A_194 : f32 to vector<128x3840xf32>
    %select_n3A_196 = arith.select %eq3A_193, %broadcast_in_dim3A_195, %select_n3A_180 : vector<128x3840xi1>, vector<128x3840xf32>
    %reduce_max3A_197 = arith.constant dense<0xFF800000> : vector<128xf32>
    %reduce_max3A_198 = vector.multi_reduction <maximumf>, %select_n3A_196, %reduce_max3A_197 [1] : vector<128x3840xf32> to vector<128xf32>
    %broadcast_in_dim3A_199 = vector.shape_cast %reduce_max3A_198 : vector<128xf32> to vector<128x1xf32>
    %eq3A_200 = vector.broadcast %broadcast_in_dim3A_199 : vector<128x1xf32> to vector<128x3840xf32>
    %eq3A_201 = arith.cmpf oeq, %select_n3A_196, %eq3A_200 : vector<128x3840xf32>
    %jit3A_202 = arith.constant 1.000000e+09 : f32
    %broadcast_in_dim3A_203 = vector.broadcast %jit3A_202 : f32 to vector<128x3840xf32>
    %select_n3A_204 = arith.select %eq3A_201, %add3A_39, %broadcast_in_dim3A_203 : vector<128x3840xi1>, vector<128x3840xf32>
    %reduce_min3A_205 = arith.constant dense<0x7F800000> : vector<128xf32>
    %reduce_min3A_206 = vector.multi_reduction <minimumf>, %select_n3A_204, %reduce_min3A_205 [1] : vector<128x3840xf32> to vector<128xf32>
    %broadcast_in_dim3A_207 = vector.shape_cast %reduce_min3A_206 : vector<128xf32> to vector<128x1xf32>
    %eq3A_208 = vector.broadcast %broadcast_in_dim3A_207 : vector<128x1xf32> to vector<128x3840xf32>
    %eq3A_209 = arith.cmpf oeq, %add3A_39, %eq3A_208 : vector<128x3840xf32>
    %jit3A_210 = arith.constant -3.000000e+38 : f32
    %broadcast_in_dim3A_211 = vector.broadcast %jit3A_210 : f32 to vector<128x3840xf32>
    %select_n3A_212 = arith.select %eq3A_209, %broadcast_in_dim3A_211, %select_n3A_196 : vector<128x3840xi1>, vector<128x3840xf32>
    %reduce_max3A_213 = arith.constant dense<0xFF800000> : vector<128xf32>
    %reduce_max3A_214 = vector.multi_reduction <maximumf>, %select_n3A_212, %reduce_max3A_213 [1] : vector<128x3840xf32> to vector<128xf32>
    %broadcast_in_dim3A_215 = vector.shape_cast %reduce_max3A_214 : vector<128xf32> to vector<128x1xf32>
    %eq3A_216 = vector.broadcast %broadcast_in_dim3A_215 : vector<128x1xf32> to vector<128x3840xf32>
    %eq3A_217 = arith.cmpf oeq, %select_n3A_212, %eq3A_216 : vector<128x3840xf32>
    %jit3A_218 = arith.constant 1.000000e+09 : f32
    %broadcast_in_dim3A_219 = vector.broadcast %jit3A_218 : f32 to vector<128x3840xf32>
    %select_n3A_220 = arith.select %eq3A_217, %add3A_39, %broadcast_in_dim3A_219 : vector<128x3840xi1>, vector<128x3840xf32>
    %reduce_min3A_221 = arith.constant dense<0x7F800000> : vector<128xf32>
    %reduce_min3A_222 = vector.multi_reduction <minimumf>, %select_n3A_220, %reduce_min3A_221 [1] : vector<128x3840xf32> to vector<128xf32>
    %broadcast_in_dim3A_223 = vector.shape_cast %reduce_min3A_222 : vector<128xf32> to vector<128x1xf32>
    %eq3A_224 = vector.broadcast %broadcast_in_dim3A_223 : vector<128x1xf32> to vector<128x3840xf32>
    %eq3A_225 = arith.cmpf oeq, %add3A_39, %eq3A_224 : vector<128x3840xf32>
    %jit3A_226 = arith.constant -3.000000e+38 : f32
    %broadcast_in_dim3A_227 = vector.broadcast %jit3A_226 : f32 to vector<128x3840xf32>
    %select_n3A_228 = arith.select %eq3A_225, %broadcast_in_dim3A_227, %select_n3A_212 : vector<128x3840xi1>, vector<128x3840xf32>
    %reduce_max3A_229 = arith.constant dense<0xFF800000> : vector<128xf32>
    %reduce_max3A_230 = vector.multi_reduction <maximumf>, %select_n3A_228, %reduce_max3A_229 [1] : vector<128x3840xf32> to vector<128xf32>
    %broadcast_in_dim3A_231 = vector.shape_cast %reduce_max3A_230 : vector<128xf32> to vector<128x1xf32>
    %eq3A_232 = vector.broadcast %broadcast_in_dim3A_231 : vector<128x1xf32> to vector<128x3840xf32>
    %eq3A_233 = arith.cmpf oeq, %select_n3A_228, %eq3A_232 : vector<128x3840xf32>
    %jit3A_234 = arith.constant 1.000000e+09 : f32
    %broadcast_in_dim3A_235 = vector.broadcast %jit3A_234 : f32 to vector<128x3840xf32>
    %select_n3A_236 = arith.select %eq3A_233, %add3A_39, %broadcast_in_dim3A_235 : vector<128x3840xi1>, vector<128x3840xf32>
    %reduce_min3A_237 = arith.constant dense<0x7F800000> : vector<128xf32>
    %reduce_min3A_238 = vector.multi_reduction <minimumf>, %select_n3A_236, %reduce_min3A_237 [1] : vector<128x3840xf32> to vector<128xf32>
    %broadcast_in_dim3A_239 = vector.shape_cast %reduce_min3A_238 : vector<128xf32> to vector<128x1xf32>
    %eq3A_240 = vector.broadcast %broadcast_in_dim3A_239 : vector<128x1xf32> to vector<128x3840xf32>
    %eq3A_241 = arith.cmpf oeq, %add3A_39, %eq3A_240 : vector<128x3840xf32>
    %jit3A_242 = arith.constant -3.000000e+38 : f32
    %broadcast_in_dim3A_243 = vector.broadcast %jit3A_242 : f32 to vector<128x3840xf32>
    %select_n3A_244 = arith.select %eq3A_241, %broadcast_in_dim3A_243, %select_n3A_228 : vector<128x3840xi1>, vector<128x3840xf32>
    %reduce_max3A_245 = arith.constant dense<0xFF800000> : vector<128xf32>
    %reduce_max3A_246 = vector.multi_reduction <maximumf>, %select_n3A_244, %reduce_max3A_245 [1] : vector<128x3840xf32> to vector<128xf32>
    %broadcast_in_dim3A_247 = vector.shape_cast %reduce_max3A_246 : vector<128xf32> to vector<128x1xf32>
    %eq3A_248 = vector.broadcast %broadcast_in_dim3A_247 : vector<128x1xf32> to vector<128x3840xf32>
    %eq3A_249 = arith.cmpf oeq, %select_n3A_244, %eq3A_248 : vector<128x3840xf32>
    %jit3A_250 = arith.constant 1.000000e+09 : f32
    %broadcast_in_dim3A_251 = vector.broadcast %jit3A_250 : f32 to vector<128x3840xf32>
    %select_n3A_252 = arith.select %eq3A_249, %add3A_39, %broadcast_in_dim3A_251 : vector<128x3840xi1>, vector<128x3840xf32>
    %reduce_min3A_253 = arith.constant dense<0x7F800000> : vector<128xf32>
    %reduce_min3A_254 = vector.multi_reduction <minimumf>, %select_n3A_252, %reduce_min3A_253 [1] : vector<128x3840xf32> to vector<128xf32>
    %broadcast_in_dim3A_255 = vector.shape_cast %reduce_min3A_254 : vector<128xf32> to vector<128x1xf32>
    %eq3A_256 = vector.broadcast %broadcast_in_dim3A_255 : vector<128x1xf32> to vector<128x3840xf32>
    %eq3A_257 = arith.cmpf oeq, %add3A_39, %eq3A_256 : vector<128x3840xf32>
    %jit3A_258 = arith.constant -3.000000e+38 : f32
    %broadcast_in_dim3A_259 = vector.broadcast %jit3A_258 : f32 to vector<128x3840xf32>
    %select_n3A_260 = arith.select %eq3A_257, %broadcast_in_dim3A_259, %select_n3A_244 : vector<128x3840xi1>, vector<128x3840xf32>
    %reduce_max3A_261 = arith.constant dense<0xFF800000> : vector<128xf32>
    %reduce_max3A_262 = vector.multi_reduction <maximumf>, %select_n3A_260, %reduce_max3A_261 [1] : vector<128x3840xf32> to vector<128xf32>
    %broadcast_in_dim3A_263 = vector.shape_cast %reduce_max3A_262 : vector<128xf32> to vector<128x1xf32>
    %eq3A_264 = vector.broadcast %broadcast_in_dim3A_263 : vector<128x1xf32> to vector<128x3840xf32>
    %eq3A_265 = arith.cmpf oeq, %select_n3A_260, %eq3A_264 : vector<128x3840xf32>
    %jit3A_266 = arith.constant 1.000000e+09 : f32
    %broadcast_in_dim3A_267 = vector.broadcast %jit3A_266 : f32 to vector<128x3840xf32>
    %select_n3A_268 = arith.select %eq3A_265, %add3A_39, %broadcast_in_dim3A_267 : vector<128x3840xi1>, vector<128x3840xf32>
    %reduce_min3A_269 = arith.constant dense<0x7F800000> : vector<128xf32>
    %reduce_min3A_270 = vector.multi_reduction <minimumf>, %select_n3A_268, %reduce_min3A_269 [1] : vector<128x3840xf32> to vector<128xf32>
    %broadcast_in_dim3A_271 = vector.shape_cast %reduce_min3A_270 : vector<128xf32> to vector<128x1xf32>
    %eq3A_272 = vector.broadcast %broadcast_in_dim3A_271 : vector<128x1xf32> to vector<128x3840xf32>
    %eq3A_273 = arith.cmpf oeq, %add3A_39, %eq3A_272 : vector<128x3840xf32>
    %jit3A_274 = arith.constant -3.000000e+38 : f32
    %broadcast_in_dim3A_275 = vector.broadcast %jit3A_274 : f32 to vector<128x3840xf32>
    %select_n3A_276 = arith.select %eq3A_273, %broadcast_in_dim3A_275, %select_n3A_260 : vector<128x3840xi1>, vector<128x3840xf32>
    %reduce_max3A_277 = arith.constant dense<0xFF800000> : vector<128xf32>
    %reduce_max3A_278 = vector.multi_reduction <maximumf>, %select_n3A_276, %reduce_max3A_277 [1] : vector<128x3840xf32> to vector<128xf32>
    %broadcast_in_dim3A_279 = vector.shape_cast %reduce_max3A_278 : vector<128xf32> to vector<128x1xf32>
    %eq3A_280 = vector.broadcast %broadcast_in_dim3A_279 : vector<128x1xf32> to vector<128x3840xf32>
    %eq3A_281 = arith.cmpf oeq, %select_n3A_276, %eq3A_280 : vector<128x3840xf32>
    %jit3A_282 = arith.constant 1.000000e+09 : f32
    %broadcast_in_dim3A_283 = vector.broadcast %jit3A_282 : f32 to vector<128x3840xf32>
    %select_n3A_284 = arith.select %eq3A_281, %add3A_39, %broadcast_in_dim3A_283 : vector<128x3840xi1>, vector<128x3840xf32>
    %reduce_min3A_285 = arith.constant dense<0x7F800000> : vector<128xf32>
    %reduce_min3A_286 = vector.multi_reduction <minimumf>, %select_n3A_284, %reduce_min3A_285 [1] : vector<128x3840xf32> to vector<128xf32>
    %broadcast_in_dim3A_287 = vector.shape_cast %reduce_min3A_286 : vector<128xf32> to vector<128x1xf32>
    %eq3A_288 = vector.broadcast %broadcast_in_dim3A_287 : vector<128x1xf32> to vector<128x3840xf32>
    %eq3A_289 = arith.cmpf oeq, %add3A_39, %eq3A_288 : vector<128x3840xf32>
    %jit3A_290 = arith.constant -3.000000e+38 : f32
    %broadcast_in_dim3A_291 = vector.broadcast %jit3A_290 : f32 to vector<128x3840xf32>
    %select_n3A_292 = arith.select %eq3A_289, %broadcast_in_dim3A_291, %select_n3A_276 : vector<128x3840xi1>, vector<128x3840xf32>
    %reduce_max3A_293 = arith.constant dense<0xFF800000> : vector<128xf32>
    %reduce_max3A_294 = vector.multi_reduction <maximumf>, %select_n3A_292, %reduce_max3A_293 [1] : vector<128x3840xf32> to vector<128xf32>
    %broadcast_in_dim3A_295 = vector.shape_cast %reduce_max3A_294 : vector<128xf32> to vector<128x1xf32>
    %eq3A_296 = vector.broadcast %broadcast_in_dim3A_295 : vector<128x1xf32> to vector<128x3840xf32>
    %eq3A_297 = arith.cmpf oeq, %select_n3A_292, %eq3A_296 : vector<128x3840xf32>
    %jit3A_298 = arith.constant 1.000000e+09 : f32
    %broadcast_in_dim3A_299 = vector.broadcast %jit3A_298 : f32 to vector<128x3840xf32>
    %select_n3A_300 = arith.select %eq3A_297, %add3A_39, %broadcast_in_dim3A_299 : vector<128x3840xi1>, vector<128x3840xf32>
    %reduce_min3A_301 = arith.constant dense<0x7F800000> : vector<128xf32>
    %reduce_min3A_302 = vector.multi_reduction <minimumf>, %select_n3A_300, %reduce_min3A_301 [1] : vector<128x3840xf32> to vector<128xf32>
    %broadcast_in_dim3A_303 = vector.shape_cast %reduce_min3A_302 : vector<128xf32> to vector<128x1xf32>
    %eq3A_304 = vector.broadcast %broadcast_in_dim3A_303 : vector<128x1xf32> to vector<128x3840xf32>
    %eq3A_305 = arith.cmpf oeq, %add3A_39, %eq3A_304 : vector<128x3840xf32>
    %jit3A_306 = arith.constant -3.000000e+38 : f32
    %broadcast_in_dim3A_307 = vector.broadcast %jit3A_306 : f32 to vector<128x3840xf32>
    %select_n3A_308 = arith.select %eq3A_305, %broadcast_in_dim3A_307, %select_n3A_292 : vector<128x3840xi1>, vector<128x3840xf32>
    %reduce_max3A_309 = arith.constant dense<0xFF800000> : vector<128xf32>
    %reduce_max3A_310 = vector.multi_reduction <maximumf>, %select_n3A_308, %reduce_max3A_309 [1] : vector<128x3840xf32> to vector<128xf32>
    %broadcast_in_dim3A_311 = vector.shape_cast %reduce_max3A_310 : vector<128xf32> to vector<128x1xf32>
    %eq3A_312 = vector.broadcast %broadcast_in_dim3A_311 : vector<128x1xf32> to vector<128x3840xf32>
    %eq3A_313 = arith.cmpf oeq, %select_n3A_308, %eq3A_312 : vector<128x3840xf32>
    %jit3A_314 = arith.constant 1.000000e+09 : f32
    %broadcast_in_dim3A_315 = vector.broadcast %jit3A_314 : f32 to vector<128x3840xf32>
    %select_n3A_316 = arith.select %eq3A_313, %add3A_39, %broadcast_in_dim3A_315 : vector<128x3840xi1>, vector<128x3840xf32>
    %reduce_min3A_317 = arith.constant dense<0x7F800000> : vector<128xf32>
    %reduce_min3A_318 = vector.multi_reduction <minimumf>, %select_n3A_316, %reduce_min3A_317 [1] : vector<128x3840xf32> to vector<128xf32>
    %broadcast_in_dim3A_319 = vector.shape_cast %reduce_min3A_318 : vector<128xf32> to vector<128x1xf32>
    %eq3A_320 = vector.broadcast %broadcast_in_dim3A_319 : vector<128x1xf32> to vector<128x3840xf32>
    %eq3A_321 = arith.cmpf oeq, %add3A_39, %eq3A_320 : vector<128x3840xf32>
    %jit3A_322 = arith.constant -3.000000e+38 : f32
    %broadcast_in_dim3A_323 = vector.broadcast %jit3A_322 : f32 to vector<128x3840xf32>
    %select_n3A_324 = arith.select %eq3A_321, %broadcast_in_dim3A_323, %select_n3A_308 : vector<128x3840xi1>, vector<128x3840xf32>
    %reduce_max3A_325 = arith.constant dense<0xFF800000> : vector<128xf32>
    %reduce_max3A_326 = vector.multi_reduction <maximumf>, %select_n3A_324, %reduce_max3A_325 [1] : vector<128x3840xf32> to vector<128xf32>
    %broadcast_in_dim3A_327 = vector.shape_cast %reduce_max3A_326 : vector<128xf32> to vector<128x1xf32>
    %eq3A_328 = vector.broadcast %broadcast_in_dim3A_327 : vector<128x1xf32> to vector<128x3840xf32>
    %eq3A_329 = arith.cmpf oeq, %select_n3A_324, %eq3A_328 : vector<128x3840xf32>
    %jit3A_330 = arith.constant 1.000000e+09 : f32
    %broadcast_in_dim3A_331 = vector.broadcast %jit3A_330 : f32 to vector<128x3840xf32>
    %select_n3A_332 = arith.select %eq3A_329, %add3A_39, %broadcast_in_dim3A_331 : vector<128x3840xi1>, vector<128x3840xf32>
    %reduce_min3A_333 = arith.constant dense<0x7F800000> : vector<128xf32>
    %reduce_min3A_334 = vector.multi_reduction <minimumf>, %select_n3A_332, %reduce_min3A_333 [1] : vector<128x3840xf32> to vector<128xf32>
    %broadcast_in_dim3A_335 = vector.shape_cast %reduce_min3A_334 : vector<128xf32> to vector<128x1xf32>
    %eq3A_336 = vector.broadcast %broadcast_in_dim3A_335 : vector<128x1xf32> to vector<128x3840xf32>
    %eq3A_337 = arith.cmpf oeq, %add3A_39, %eq3A_336 : vector<128x3840xf32>
    %jit3A_338 = arith.constant -3.000000e+38 : f32
    %broadcast_in_dim3A_339 = vector.broadcast %jit3A_338 : f32 to vector<128x3840xf32>
    %select_n3A_340 = arith.select %eq3A_337, %broadcast_in_dim3A_339, %select_n3A_324 : vector<128x3840xi1>, vector<128x3840xf32>
    %reduce_max3A_341 = arith.constant dense<0xFF800000> : vector<128xf32>
    %reduce_max3A_342 = vector.multi_reduction <maximumf>, %select_n3A_340, %reduce_max3A_341 [1] : vector<128x3840xf32> to vector<128xf32>
    %broadcast_in_dim3A_343 = vector.shape_cast %reduce_max3A_342 : vector<128xf32> to vector<128x1xf32>
    %eq3A_344 = vector.broadcast %broadcast_in_dim3A_343 : vector<128x1xf32> to vector<128x3840xf32>
    %eq3A_345 = arith.cmpf oeq, %select_n3A_340, %eq3A_344 : vector<128x3840xf32>
    %jit3A_346 = arith.constant 1.000000e+09 : f32
    %broadcast_in_dim3A_347 = vector.broadcast %jit3A_346 : f32 to vector<128x3840xf32>
    %select_n3A_348 = arith.select %eq3A_345, %add3A_39, %broadcast_in_dim3A_347 : vector<128x3840xi1>, vector<128x3840xf32>
    %reduce_min3A_349 = arith.constant dense<0x7F800000> : vector<128xf32>
    %reduce_min3A_350 = vector.multi_reduction <minimumf>, %select_n3A_348, %reduce_min3A_349 [1] : vector<128x3840xf32> to vector<128xf32>
    %broadcast_in_dim3A_351 = vector.shape_cast %reduce_min3A_350 : vector<128xf32> to vector<128x1xf32>
    %eq3A_352 = vector.broadcast %broadcast_in_dim3A_351 : vector<128x1xf32> to vector<128x3840xf32>
    %eq3A_353 = arith.cmpf oeq, %add3A_39, %eq3A_352 : vector<128x3840xf32>
    %jit3A_354 = arith.constant -3.000000e+38 : f32
    %broadcast_in_dim3A_355 = vector.broadcast %jit3A_354 : f32 to vector<128x3840xf32>
    %select_n3A_356 = arith.select %eq3A_353, %broadcast_in_dim3A_355, %select_n3A_340 : vector<128x3840xi1>, vector<128x3840xf32>
    %reduce_max3A_357 = arith.constant dense<0xFF800000> : vector<128xf32>
    %reduce_max3A_358 = vector.multi_reduction <maximumf>, %select_n3A_356, %reduce_max3A_357 [1] : vector<128x3840xf32> to vector<128xf32>
    %broadcast_in_dim3A_359 = vector.shape_cast %reduce_max3A_358 : vector<128xf32> to vector<128x1xf32>
    %eq3A_360 = vector.broadcast %broadcast_in_dim3A_359 : vector<128x1xf32> to vector<128x3840xf32>
    %eq3A_361 = arith.cmpf oeq, %select_n3A_356, %eq3A_360 : vector<128x3840xf32>
    %jit3A_362 = arith.constant 1.000000e+09 : f32
    %broadcast_in_dim3A_363 = vector.broadcast %jit3A_362 : f32 to vector<128x3840xf32>
    %select_n3A_364 = arith.select %eq3A_361, %add3A_39, %broadcast_in_dim3A_363 : vector<128x3840xi1>, vector<128x3840xf32>
    %reduce_min3A_365 = arith.constant dense<0x7F800000> : vector<128xf32>
    %reduce_min3A_366 = vector.multi_reduction <minimumf>, %select_n3A_364, %reduce_min3A_365 [1] : vector<128x3840xf32> to vector<128xf32>
    %broadcast_in_dim3A_367 = vector.shape_cast %reduce_min3A_366 : vector<128xf32> to vector<128x1xf32>
    %eq3A_368 = vector.broadcast %broadcast_in_dim3A_367 : vector<128x1xf32> to vector<128x3840xf32>
    %eq3A_369 = arith.cmpf oeq, %add3A_39, %eq3A_368 : vector<128x3840xf32>
    %jit3A_370 = arith.constant -3.000000e+38 : f32
    %broadcast_in_dim3A_371 = vector.broadcast %jit3A_370 : f32 to vector<128x3840xf32>
    %select_n3A_372 = arith.select %eq3A_369, %broadcast_in_dim3A_371, %select_n3A_356 : vector<128x3840xi1>, vector<128x3840xf32>
    %reduce_max3A_373 = arith.constant dense<0xFF800000> : vector<128xf32>
    %reduce_max3A_374 = vector.multi_reduction <maximumf>, %select_n3A_372, %reduce_max3A_373 [1] : vector<128x3840xf32> to vector<128xf32>
    %broadcast_in_dim3A_375 = vector.shape_cast %reduce_max3A_374 : vector<128xf32> to vector<128x1xf32>
    %eq3A_376 = vector.broadcast %broadcast_in_dim3A_375 : vector<128x1xf32> to vector<128x3840xf32>
    %eq3A_377 = arith.cmpf oeq, %select_n3A_372, %eq3A_376 : vector<128x3840xf32>
    %jit3A_378 = arith.constant 1.000000e+09 : f32
    %broadcast_in_dim3A_379 = vector.broadcast %jit3A_378 : f32 to vector<128x3840xf32>
    %select_n3A_380 = arith.select %eq3A_377, %add3A_39, %broadcast_in_dim3A_379 : vector<128x3840xi1>, vector<128x3840xf32>
    %reduce_min3A_381 = arith.constant dense<0x7F800000> : vector<128xf32>
    %reduce_min3A_382 = vector.multi_reduction <minimumf>, %select_n3A_380, %reduce_min3A_381 [1] : vector<128x3840xf32> to vector<128xf32>
    %broadcast_in_dim3A_383 = vector.shape_cast %reduce_min3A_382 : vector<128xf32> to vector<128x1xf32>
    %eq3A_384 = vector.broadcast %broadcast_in_dim3A_383 : vector<128x1xf32> to vector<128x3840xf32>
    %eq3A_385 = arith.cmpf oeq, %add3A_39, %eq3A_384 : vector<128x3840xf32>
    %jit3A_386 = arith.constant -3.000000e+38 : f32
    %broadcast_in_dim3A_387 = vector.broadcast %jit3A_386 : f32 to vector<128x3840xf32>
    %select_n3A_388 = arith.select %eq3A_385, %broadcast_in_dim3A_387, %select_n3A_372 : vector<128x3840xi1>, vector<128x3840xf32>
    %reduce_max3A_389 = arith.constant dense<0xFF800000> : vector<128xf32>
    %reduce_max3A_390 = vector.multi_reduction <maximumf>, %select_n3A_388, %reduce_max3A_389 [1] : vector<128x3840xf32> to vector<128xf32>
    %broadcast_in_dim3A_391 = vector.shape_cast %reduce_max3A_390 : vector<128xf32> to vector<128x1xf32>
    %eq3A_392 = vector.broadcast %broadcast_in_dim3A_391 : vector<128x1xf32> to vector<128x3840xf32>
    %eq3A_393 = arith.cmpf oeq, %select_n3A_388, %eq3A_392 : vector<128x3840xf32>
    %jit3A_394 = arith.constant 1.000000e+09 : f32
    %broadcast_in_dim3A_395 = vector.broadcast %jit3A_394 : f32 to vector<128x3840xf32>
    %select_n3A_396 = arith.select %eq3A_393, %add3A_39, %broadcast_in_dim3A_395 : vector<128x3840xi1>, vector<128x3840xf32>
    %reduce_min3A_397 = arith.constant dense<0x7F800000> : vector<128xf32>
    %reduce_min3A_398 = vector.multi_reduction <minimumf>, %select_n3A_396, %reduce_min3A_397 [1] : vector<128x3840xf32> to vector<128xf32>
    %broadcast_in_dim3A_399 = vector.shape_cast %reduce_min3A_398 : vector<128xf32> to vector<128x1xf32>
    %eq3A_400 = vector.broadcast %broadcast_in_dim3A_399 : vector<128x1xf32> to vector<128x3840xf32>
    %eq3A_401 = arith.cmpf oeq, %add3A_39, %eq3A_400 : vector<128x3840xf32>
    %jit3A_402 = arith.constant -3.000000e+38 : f32
    %broadcast_in_dim3A_403 = vector.broadcast %jit3A_402 : f32 to vector<128x3840xf32>
    %select_n3A_404 = arith.select %eq3A_401, %broadcast_in_dim3A_403, %select_n3A_388 : vector<128x3840xi1>, vector<128x3840xf32>
    %reduce_max3A_405 = arith.constant dense<0xFF800000> : vector<128xf32>
    %reduce_max3A_406 = vector.multi_reduction <maximumf>, %select_n3A_404, %reduce_max3A_405 [1] : vector<128x3840xf32> to vector<128xf32>
    %broadcast_in_dim3A_407 = vector.shape_cast %reduce_max3A_406 : vector<128xf32> to vector<128x1xf32>
    %eq3A_408 = vector.broadcast %broadcast_in_dim3A_407 : vector<128x1xf32> to vector<128x3840xf32>
    %eq3A_409 = arith.cmpf oeq, %select_n3A_404, %eq3A_408 : vector<128x3840xf32>
    %jit3A_410 = arith.constant 1.000000e+09 : f32
    %broadcast_in_dim3A_411 = vector.broadcast %jit3A_410 : f32 to vector<128x3840xf32>
    %select_n3A_412 = arith.select %eq3A_409, %add3A_39, %broadcast_in_dim3A_411 : vector<128x3840xi1>, vector<128x3840xf32>
    %reduce_min3A_413 = arith.constant dense<0x7F800000> : vector<128xf32>
    %reduce_min3A_414 = vector.multi_reduction <minimumf>, %select_n3A_412, %reduce_min3A_413 [1] : vector<128x3840xf32> to vector<128xf32>
    %broadcast_in_dim3A_415 = vector.shape_cast %reduce_min3A_414 : vector<128xf32> to vector<128x1xf32>
    %eq3A_416 = vector.broadcast %broadcast_in_dim3A_415 : vector<128x1xf32> to vector<128x3840xf32>
    %eq3A_417 = arith.cmpf oeq, %add3A_39, %eq3A_416 : vector<128x3840xf32>
    %jit3A_418 = arith.constant -3.000000e+38 : f32
    %broadcast_in_dim3A_419 = vector.broadcast %jit3A_418 : f32 to vector<128x3840xf32>
    %select_n3A_420 = arith.select %eq3A_417, %broadcast_in_dim3A_419, %select_n3A_404 : vector<128x3840xi1>, vector<128x3840xf32>
    %reduce_max3A_421 = arith.constant dense<0xFF800000> : vector<128xf32>
    %reduce_max3A_422 = vector.multi_reduction <maximumf>, %select_n3A_420, %reduce_max3A_421 [1] : vector<128x3840xf32> to vector<128xf32>
    %broadcast_in_dim3A_423 = vector.shape_cast %reduce_max3A_422 : vector<128xf32> to vector<128x1xf32>
    %eq3A_424 = vector.broadcast %broadcast_in_dim3A_423 : vector<128x1xf32> to vector<128x3840xf32>
    %eq3A_425 = arith.cmpf oeq, %select_n3A_420, %eq3A_424 : vector<128x3840xf32>
    %jit3A_426 = arith.constant 1.000000e+09 : f32
    %broadcast_in_dim3A_427 = vector.broadcast %jit3A_426 : f32 to vector<128x3840xf32>
    %select_n3A_428 = arith.select %eq3A_425, %add3A_39, %broadcast_in_dim3A_427 : vector<128x3840xi1>, vector<128x3840xf32>
    %reduce_min3A_429 = arith.constant dense<0x7F800000> : vector<128xf32>
    %reduce_min3A_430 = vector.multi_reduction <minimumf>, %select_n3A_428, %reduce_min3A_429 [1] : vector<128x3840xf32> to vector<128xf32>
    %broadcast_in_dim3A_431 = vector.shape_cast %reduce_min3A_430 : vector<128xf32> to vector<128x1xf32>
    %eq3A_432 = vector.broadcast %broadcast_in_dim3A_431 : vector<128x1xf32> to vector<128x3840xf32>
    %eq3A_433 = arith.cmpf oeq, %add3A_39, %eq3A_432 : vector<128x3840xf32>
    %jit3A_434 = arith.constant -3.000000e+38 : f32
    %broadcast_in_dim3A_435 = vector.broadcast %jit3A_434 : f32 to vector<128x3840xf32>
    %select_n3A_436 = arith.select %eq3A_433, %broadcast_in_dim3A_435, %select_n3A_420 : vector<128x3840xi1>, vector<128x3840xf32>
    %reduce_max3A_437 = arith.constant dense<0xFF800000> : vector<128xf32>
    %reduce_max3A_438 = vector.multi_reduction <maximumf>, %select_n3A_436, %reduce_max3A_437 [1] : vector<128x3840xf32> to vector<128xf32>
    %broadcast_in_dim3A_439 = vector.shape_cast %reduce_max3A_438 : vector<128xf32> to vector<128x1xf32>
    %eq3A_440 = vector.broadcast %broadcast_in_dim3A_439 : vector<128x1xf32> to vector<128x3840xf32>
    %eq3A_441 = arith.cmpf oeq, %select_n3A_436, %eq3A_440 : vector<128x3840xf32>
    %jit3A_442 = arith.constant 1.000000e+09 : f32
    %broadcast_in_dim3A_443 = vector.broadcast %jit3A_442 : f32 to vector<128x3840xf32>
    %select_n3A_444 = arith.select %eq3A_441, %add3A_39, %broadcast_in_dim3A_443 : vector<128x3840xi1>, vector<128x3840xf32>
    %reduce_min3A_445 = arith.constant dense<0x7F800000> : vector<128xf32>
    %reduce_min3A_446 = vector.multi_reduction <minimumf>, %select_n3A_444, %reduce_min3A_445 [1] : vector<128x3840xf32> to vector<128xf32>
    %broadcast_in_dim3A_447 = vector.shape_cast %reduce_min3A_446 : vector<128xf32> to vector<128x1xf32>
    %eq3A_448 = vector.broadcast %broadcast_in_dim3A_447 : vector<128x1xf32> to vector<128x3840xf32>
    %eq3A_449 = arith.cmpf oeq, %add3A_39, %eq3A_448 : vector<128x3840xf32>
    %jit3A_450 = arith.constant -3.000000e+38 : f32
    %broadcast_in_dim3A_451 = vector.broadcast %jit3A_450 : f32 to vector<128x3840xf32>
    %select_n3A_452 = arith.select %eq3A_449, %broadcast_in_dim3A_451, %select_n3A_436 : vector<128x3840xi1>, vector<128x3840xf32>
    %reduce_max3A_453 = arith.constant dense<0xFF800000> : vector<128xf32>
    %reduce_max3A_454 = vector.multi_reduction <maximumf>, %select_n3A_452, %reduce_max3A_453 [1] : vector<128x3840xf32> to vector<128xf32>
    %broadcast_in_dim3A_455 = vector.shape_cast %reduce_max3A_454 : vector<128xf32> to vector<128x1xf32>
    %eq3A_456 = vector.broadcast %broadcast_in_dim3A_455 : vector<128x1xf32> to vector<128x3840xf32>
    %eq3A_457 = arith.cmpf oeq, %select_n3A_452, %eq3A_456 : vector<128x3840xf32>
    %jit3A_458 = arith.constant 1.000000e+09 : f32
    %broadcast_in_dim3A_459 = vector.broadcast %jit3A_458 : f32 to vector<128x3840xf32>
    %select_n3A_460 = arith.select %eq3A_457, %add3A_39, %broadcast_in_dim3A_459 : vector<128x3840xi1>, vector<128x3840xf32>
    %reduce_min3A_461 = arith.constant dense<0x7F800000> : vector<128xf32>
    %reduce_min3A_462 = vector.multi_reduction <minimumf>, %select_n3A_460, %reduce_min3A_461 [1] : vector<128x3840xf32> to vector<128xf32>
    %broadcast_in_dim3A_463 = vector.shape_cast %reduce_min3A_462 : vector<128xf32> to vector<128x1xf32>
    %eq3A_464 = vector.broadcast %broadcast_in_dim3A_463 : vector<128x1xf32> to vector<128x3840xf32>
    %eq3A_465 = arith.cmpf oeq, %add3A_39, %eq3A_464 : vector<128x3840xf32>
    %jit3A_466 = arith.constant -3.000000e+38 : f32
    %broadcast_in_dim3A_467 = vector.broadcast %jit3A_466 : f32 to vector<128x3840xf32>
    %select_n3A_468 = arith.select %eq3A_465, %broadcast_in_dim3A_467, %select_n3A_452 : vector<128x3840xi1>, vector<128x3840xf32>
    %reduce_max3A_469 = arith.constant dense<0xFF800000> : vector<128xf32>
    %reduce_max3A_470 = vector.multi_reduction <maximumf>, %select_n3A_468, %reduce_max3A_469 [1] : vector<128x3840xf32> to vector<128xf32>
    %broadcast_in_dim3A_471 = vector.shape_cast %reduce_max3A_470 : vector<128xf32> to vector<128x1xf32>
    %eq3A_472 = vector.broadcast %broadcast_in_dim3A_471 : vector<128x1xf32> to vector<128x3840xf32>
    %eq3A_473 = arith.cmpf oeq, %select_n3A_468, %eq3A_472 : vector<128x3840xf32>
    %jit3A_474 = arith.constant 1.000000e+09 : f32
    %broadcast_in_dim3A_475 = vector.broadcast %jit3A_474 : f32 to vector<128x3840xf32>
    %select_n3A_476 = arith.select %eq3A_473, %add3A_39, %broadcast_in_dim3A_475 : vector<128x3840xi1>, vector<128x3840xf32>
    %reduce_min3A_477 = arith.constant dense<0x7F800000> : vector<128xf32>
    %reduce_min3A_478 = vector.multi_reduction <minimumf>, %select_n3A_476, %reduce_min3A_477 [1] : vector<128x3840xf32> to vector<128xf32>
    %broadcast_in_dim3A_479 = vector.shape_cast %reduce_min3A_478 : vector<128xf32> to vector<128x1xf32>
    %eq3A_480 = vector.broadcast %broadcast_in_dim3A_479 : vector<128x1xf32> to vector<128x3840xf32>
    %eq3A_481 = arith.cmpf oeq, %add3A_39, %eq3A_480 : vector<128x3840xf32>
    %jit3A_482 = arith.constant -3.000000e+38 : f32
    %broadcast_in_dim3A_483 = vector.broadcast %jit3A_482 : f32 to vector<128x3840xf32>
    %select_n3A_484 = arith.select %eq3A_481, %broadcast_in_dim3A_483, %select_n3A_468 : vector<128x3840xi1>, vector<128x3840xf32>
    %reduce_max3A_485 = arith.constant dense<0xFF800000> : vector<128xf32>
    %reduce_max3A_486 = vector.multi_reduction <maximumf>, %select_n3A_484, %reduce_max3A_485 [1] : vector<128x3840xf32> to vector<128xf32>
    %broadcast_in_dim3A_487 = vector.shape_cast %reduce_max3A_486 : vector<128xf32> to vector<128x1xf32>
    %eq3A_488 = vector.broadcast %broadcast_in_dim3A_487 : vector<128x1xf32> to vector<128x3840xf32>
    %eq3A_489 = arith.cmpf oeq, %select_n3A_484, %eq3A_488 : vector<128x3840xf32>
    %jit3A_490 = arith.constant 1.000000e+09 : f32
    %broadcast_in_dim3A_491 = vector.broadcast %jit3A_490 : f32 to vector<128x3840xf32>
    %select_n3A_492 = arith.select %eq3A_489, %add3A_39, %broadcast_in_dim3A_491 : vector<128x3840xi1>, vector<128x3840xf32>
    %reduce_min3A_493 = arith.constant dense<0x7F800000> : vector<128xf32>
    %reduce_min3A_494 = vector.multi_reduction <minimumf>, %select_n3A_492, %reduce_min3A_493 [1] : vector<128x3840xf32> to vector<128xf32>
    %broadcast_in_dim3A_495 = vector.shape_cast %reduce_min3A_494 : vector<128xf32> to vector<128x1xf32>
    %eq3A_496 = vector.broadcast %broadcast_in_dim3A_495 : vector<128x1xf32> to vector<128x3840xf32>
    %eq3A_497 = arith.cmpf oeq, %add3A_39, %eq3A_496 : vector<128x3840xf32>
    %jit3A_498 = arith.constant -3.000000e+38 : f32
    %broadcast_in_dim3A_499 = vector.broadcast %jit3A_498 : f32 to vector<128x3840xf32>
    %select_n3A_500 = arith.select %eq3A_497, %broadcast_in_dim3A_499, %select_n3A_484 : vector<128x3840xi1>, vector<128x3840xf32>
    %reduce_max3A_501 = arith.constant dense<0xFF800000> : vector<128xf32>
    %reduce_max3A_502 = vector.multi_reduction <maximumf>, %select_n3A_500, %reduce_max3A_501 [1] : vector<128x3840xf32> to vector<128xf32>
    %broadcast_in_dim3A_503 = vector.shape_cast %reduce_max3A_502 : vector<128xf32> to vector<128x1xf32>
    %eq3A_504 = vector.broadcast %broadcast_in_dim3A_503 : vector<128x1xf32> to vector<128x3840xf32>
    %eq3A_505 = arith.cmpf oeq, %select_n3A_500, %eq3A_504 : vector<128x3840xf32>
    %jit3A_506 = arith.constant 1.000000e+09 : f32
    %broadcast_in_dim3A_507 = vector.broadcast %jit3A_506 : f32 to vector<128x3840xf32>
    %select_n3A_508 = arith.select %eq3A_505, %add3A_39, %broadcast_in_dim3A_507 : vector<128x3840xi1>, vector<128x3840xf32>
    %reduce_min3A_509 = arith.constant dense<0x7F800000> : vector<128xf32>
    %reduce_min3A_510 = vector.multi_reduction <minimumf>, %select_n3A_508, %reduce_min3A_509 [1] : vector<128x3840xf32> to vector<128xf32>
    %broadcast_in_dim3A_511 = vector.shape_cast %reduce_min3A_510 : vector<128xf32> to vector<128x1xf32>
    %concatenate3A = tpu.concatenate %broadcast_in_dim3A_47, %broadcast_in_dim3A_63, %broadcast_in_dim3A_79, %broadcast_in_dim3A_95, %broadcast_in_dim3A_111, %broadcast_in_dim3A_127, %broadcast_in_dim3A_143, %broadcast_in_dim3A_159, %broadcast_in_dim3A_175, %broadcast_in_dim3A_191, %broadcast_in_dim3A_207, %broadcast_in_dim3A_223, %broadcast_in_dim3A_239, %broadcast_in_dim3A_255, %broadcast_in_dim3A_271, %broadcast_in_dim3A_287, %broadcast_in_dim3A_303, %broadcast_in_dim3A_319, %broadcast_in_dim3A_335, %broadcast_in_dim3A_351, %broadcast_in_dim3A_367, %broadcast_in_dim3A_383, %broadcast_in_dim3A_399, %broadcast_in_dim3A_415, %broadcast_in_dim3A_431, %broadcast_in_dim3A_447, %broadcast_in_dim3A_463, %broadcast_in_dim3A_479, %broadcast_in_dim3A_495, %broadcast_in_dim3A_511 in 1 : vector<128x1xf32>, vector<128x1xf32>, vector<128x1xf32>, vector<128x1xf32>, vector<128x1xf32>, vector<128x1xf32>, vector<128x1xf32>, vector<128x1xf32>, vector<128x1xf32>, vector<128x1xf32>, vector<128x1xf32>, vector<128x1xf32>, vector<128x1xf32>, vector<128x1xf32>, vector<128x1xf32>, vector<128x1xf32>, vector<128x1xf32>, vector<128x1xf32>, vector<128x1xf32>, vector<128x1xf32>, vector<128x1xf32>, vector<128x1xf32>, vector<128x1xf32>, vector<128x1xf32>, vector<128x1xf32>, vector<128x1xf32>, vector<128x1xf32>, vector<128x1xf32>, vector<128x1xf32>, vector<128x1xf32> -> vector<128x30xf32>
    %convert_element_type3A_512 = arith.fptosi %concatenate3A : vector<128x30xf32> to vector<128x30xi32>
    %swap3A = arith.constant 0 : index
    %swap3A_513 = arith.constant 0 : index
    %swap3A_514 = vector.load %arg3[%swap3A, %swap3A_513] : memref<128x30xi32, #tpu.memory_space<vmem>>, vector<128x30xi32>
    tpu.vector_store %arg3[%swap3A, %swap3A_513], %convert_element_type3A_512 {strides = array<i32>} : memref<128x30xi32, #tpu.memory_space<vmem>>, vector<128x30xi32>,
    return
  }
  func.func @transform_0(%arg0: i32) -> (i32, i32) {
    %c0_i32 = arith.constant 0 : i32
    %c0_i32_0 = arith.constant 0 : i32
    return %arg0, %c0_i32 : i32, i32
  }
  func.func @transform_1(%arg0: i32) -> (i32, i32) {
    %c0_i32 = arith.constant 0 : i32
    %c0_i32_0 = arith.constant 0 : i32
    return %arg0, %c0_i32 : i32, i32
  }
  func.func @transform_2(%arg0: i32) -> (i32, i32) {
    %c0_i32 = arith.constant 0 : i32
    %c0_i32_0 = arith.constant 0 : i32
    return %arg0, %c0_i32 : i32, i32
  }
}

module attributes {stable_mosaic.version = 14 : i64} {
  func.func @_ln_body(%arg0: i32, %arg1: memref<1920x128xf32, #tpu.memory_space<vmem>>, %arg2: memref<1920x128xf32, #tpu.memory_space<vmem>>, %arg3: memref<128xf32, #tpu.memory_space<vmem>>, %arg4: memref<128xf32, #tpu.memory_space<vmem>>, %arg5: memref<1920x128xf32, #tpu.memory_space<vmem>>) attributes {dimension_semantics = [#tpu.dimension_semantics<arbitrary>], iteration_bounds = array<i64: 16>, scalar_prefetch = 0 : i64, scratch_operands = 0 : i64, tpu.core_type = #tpu.core_type<tc>, window_params = [{transform_indices = @transform_0, window_bounds = array<i64: 1920, 128>}, {pipeline_mode = #tpu.pipeline_mode<synchronous>, transform_indices = @transform_1, window_bounds = array<i64: 1920, 128>}, {pipeline_mode = #tpu.pipeline_mode<synchronous>, transform_indices = @transform_2, window_bounds = array<i64: 128>}, {pipeline_mode = #tpu.pipeline_mode<synchronous>, transform_indices = @transform_3, window_bounds = array<i64: 128>}, {transform_indices = @transform_4, window_bounds = array<i64: 1920, 128>}]} {
    %get3A = arith.constant 0 : index
    %get3A_0 = arith.constant 0 : index
    %get3A_1 = vector.load %arg1[%get3A, %get3A_0] : memref<1920x128xf32, #tpu.memory_space<vmem>>, vector<1920x128xf32>
    %get3A_2 = arith.constant 0 : index
    %get3A_3 = arith.constant 0 : index
    %get3A_4 = vector.load %arg2[%get3A_2, %get3A_3] : memref<1920x128xf32, #tpu.memory_space<vmem>>, vector<1920x128xf32>
    %add3A = arith.addf %get3A_1, %get3A_4 : vector<1920x128xf32>
    %reduce_sum3A = arith.constant dense<0.000000e+00> : vector<1920xf32>
    %reduce_sum3A_5 = vector.multi_reduction <add>, %add3A, %reduce_sum3A [1] : vector<1920x128xf32> to vector<1920xf32>
    %broadcast_in_dim3A = vector.shape_cast %reduce_sum3A_5 : vector<1920xf32> to vector<1920x1xf32>
    %div3A = arith.constant 1.280000e+02 : f32
    %div3A_6 = vector.broadcast %div3A : f32 to vector<1920x1xf32>
    %div3A_7 = arith.divf %broadcast_in_dim3A, %div3A_6 : vector<1920x1xf32>
    %sub3A = vector.broadcast %div3A_7 : vector<1920x1xf32> to vector<1920x128xf32>
    %sub3A_8 = arith.subf %add3A, %sub3A : vector<1920x128xf32>
    %integer_pow3A = arith.mulf %sub3A_8, %sub3A_8 : vector<1920x128xf32>
    %reduce_sum3A_9 = arith.constant dense<0.000000e+00> : vector<1920xf32>
    %reduce_sum3A_10 = vector.multi_reduction <add>, %integer_pow3A, %reduce_sum3A_9 [1] : vector<1920x128xf32> to vector<1920xf32>
    %broadcast_in_dim3A_11 = vector.shape_cast %reduce_sum3A_10 : vector<1920xf32> to vector<1920x1xf32>
    %div3A_12 = arith.constant 1.280000e+02 : f32
    %div3A_13 = vector.broadcast %div3A_12 : f32 to vector<1920x1xf32>
    %div3A_14 = arith.divf %broadcast_in_dim3A_11, %div3A_13 : vector<1920x1xf32>
    %sub3A_15 = vector.broadcast %div3A_7 : vector<1920x1xf32> to vector<1920x128xf32>
    %sub3A_16 = arith.subf %add3A, %sub3A_15 : vector<1920x128xf32>
    %add3A_17 = arith.constant 9.99999996E-13 : f32
    %add3A_18 = vector.broadcast %add3A_17 : f32 to vector<1920x1xf32>
    %add3A_19 = arith.addf %div3A_14, %add3A_18 : vector<1920x1xf32>
    %rsqrt3A = math.rsqrt %add3A_19 : vector<1920x1xf32>
    %mul3A = vector.broadcast %rsqrt3A : vector<1920x1xf32> to vector<1920x128xf32>
    %mul3A_20 = arith.mulf %sub3A_16, %mul3A : vector<1920x128xf32>
    %get3A_21 = arith.constant 0 : index
    %get3A_22 = vector.load %arg3[%get3A_21] : memref<128xf32, #tpu.memory_space<vmem>>, vector<128xf32>
    %broadcast_in_dim3A_23 = vector.shape_cast %get3A_22 : vector<128xf32> to vector<1x128xf32>
    %mul3A_24 = vector.broadcast %broadcast_in_dim3A_23 : vector<1x128xf32> to vector<1920x128xf32>
    %mul3A_25 = arith.mulf %mul3A_20, %mul3A_24 : vector<1920x128xf32>
    %get3A_26 = arith.constant 0 : index
    %get3A_27 = vector.load %arg4[%get3A_26] : memref<128xf32, #tpu.memory_space<vmem>>, vector<128xf32>
    %broadcast_in_dim3A_28 = vector.shape_cast %get3A_27 : vector<128xf32> to vector<1x128xf32>
    %add3A_29 = vector.broadcast %broadcast_in_dim3A_28 : vector<1x128xf32> to vector<1920x128xf32>
    %add3A_30 = arith.addf %mul3A_25, %add3A_29 : vector<1920x128xf32>
    %swap3A = arith.constant 0 : index
    %swap3A_31 = arith.constant 0 : index
    %swap3A_32 = vector.load %arg5[%swap3A, %swap3A_31] : memref<1920x128xf32, #tpu.memory_space<vmem>>, vector<1920x128xf32>
    tpu.vector_store %arg5[%swap3A, %swap3A_31], %add3A_30 {strides = array<i32>} : memref<1920x128xf32, #tpu.memory_space<vmem>>, vector<1920x128xf32>,
    return
  }
  func.func @transform_0(%arg0: i32) -> (i32, i32) {
    %c0_i32 = arith.constant 0 : i32
    %c0_i32_0 = arith.constant 0 : i32
    return %arg0, %c0_i32 : i32, i32
  }
  func.func @transform_1(%arg0: i32) -> (i32, i32) {
    %c0_i32 = arith.constant 0 : i32
    %c0_i32_0 = arith.constant 0 : i32
    %c0_i32_1 = arith.constant 0 : i32
    return %c0_i32, %c0_i32_0 : i32, i32
  }
  func.func @transform_2(%arg0: i32) -> i32 {
    %c0_i32 = arith.constant 0 : i32
    %c0_i32_0 = arith.constant 0 : i32
    return %c0_i32 : i32
  }
  func.func @transform_3(%arg0: i32) -> i32 {
    %c0_i32 = arith.constant 0 : i32
    %c0_i32_0 = arith.constant 0 : i32
    return %c0_i32 : i32
  }
  func.func @transform_4(%arg0: i32) -> (i32, i32) {
    %c0_i32 = arith.constant 0 : i32
    %c0_i32_0 = arith.constant 0 : i32
    return %arg0, %c0_i32 : i32, i32
  }
}

</mosaic_0001>

<sc_bundles>
// kernel: kernel.11.cloned.1.call-start
scs
__scs_entry_jumppad:
0x0: {  	(pc) =	sbr.rel $0x88, $3  }
0x1: {  	(tag) =	ssettag $0x0;
	lr =	simm.s32 $0x1  }
0x2: {  	[smem:$0x3F9C] =	sst lr;
	_ =	strace $0xD0000000  }
0x3: {  	_ = 	snop  }
0x4: {  	_ = 	snop  }
0x5: {  	_ = 	snop  }
0x6: {  	_ = 	snop  }
0x7: {  	_ = 	snop  }
__scs_overlays_trampoline_lowered:
0x8: {  	[smem:$0x3FAB] =	sst s0  }
0x9: {  	[smem:$0x3FAC] =	sst s1  }
0xa: {  	[smem:$0x3FAD] =	sst s2  }
0xb: {  	[smem:$0x3FAE] =	sst s3  }
0xc: {  	[smem:$0x3FAF] =	sst s4  }
0xd: {  	[smem:$0x3FB0] =	sst s5  }
0xe: {  	[smem:$0x3FB1] =	sst s6  }
0xf: {  	[smem:$0x3FB2] =	sst s7  }
0x10: {  	[smem:$0x3FB3] =	sst s8  }
0x11: {  	[smem:$0x3FB4] =	sst s9;
	s0 =	simm.s32 @!p0 $0x0  }
0x12: {  	s1 =	sld [smem:$0x3F9A];
	s0 =	simm.s32 @p0 $0x1  }
0x13: {  	[smem:$0x3FB5] =	sst s0;
	s0 =	simm.s32 @!p1 $0x0  }
0x14: {  	s2 =	sld [smem:$0x3F99];
	s0 =	simm.s32 @p1 $0x1  }
0x15: {  	[smem:$0x3FB6] =	sst s0;
	s0 =	simm.s32 @!p2 $0x0  }
0x16: {  	s3 =	sld [smem:$0x3FDB];
	s0 =	simm.s32 @p2 $0x1  }
0x17: {  	s4 =	simm.s32 $0x1BF5;
	[smem:$0x3FB8] =	sst s0  }
0x18: {  	s0 =	sld [smem:$0x3F9B];
	_ =	swait.ge [sflag:s4], $0x0  }
0x19: {  	s7 =	sld [smem:$0x3F9C]  }
0x1a: {  	s8 =	sadd.s32 $0xFFFFE003, lr  }
0x1b: {  	s9 =	sadd.s32 $0xFFFFFEF7, lr;
	s5 =	simm.s32 $0xFFFFFFFF;
	p2 =	slt.u32 s8, $0xFFFFF086  }
0x1c: {  	p1 =	slt.u32 s9, $0xF7A;
	s5 =	simm.s32 @!p2 $0x0  }
0x1d: {  	s5 =	simm.s32 @p1 $0x1;
	p0 =	seq.s32 s7, s2  }
0x1e: {  	s7 =	smul.u32 @!p0 $0xF7A, s2;
	p2 =	seq.s32 @!p0 s5, $0x0  }
0x1f: {  	s9 =	smul.u32 $0xF7A, s1;
	s8 =	simm.s32 @!p0 $0x1BF5;
	p2 =	por !p2, p0  }
0x20: {  	[sflag:s8] =	ssyncset.s32 @!p0 $0xFFFFF086;
	s6 =	sadd.s32 @!p0 s3, s7;
	s7 =	simm.s32 @!p0 $0x108  }
0x21: {  	s3 =	sadd.s32 s3, s9;
	s6 =	sadd.s32 @!p0 $0x88, s6;
	s7 =	simm.s32 @p2 $0x1082  }
0x22: {  	[simem:s7], [sflag:s8] =	dma.local @!p0 [hbm:s6], $0xF7A  }
0x23: {  	s9 =	sor.u32 $0xD0000000, s2;
	s6 =	simm.s32 $0x108;
	_ =	swait.ge @!p0 [sflag:s8], $0x0  }
0x24: {  	s3 =	sadd.s32 $0x88, s3;
	s6 =	simm.s32 @!p1 $0x1082;
	[sflag:s4] =	ssyncset.s32 $0xFFFFF086  }
0x25: {  	[simem:s6], [sflag:s4] =	dma.local [hbm:s3], $0xF7A  }
0x26: {  	[smem:$0x3F9C] =	sst s1;
	(tag) =	ssettag s2;
	_ =	strace s9  }
0x27: {  	s1 =	sld [smem:$0x3FAC]  }
0x28: {  	s2 =	sld [smem:$0x3FAD]  }
0x29: {  	s4 =	sld [smem:$0x3FAF]  }
0x2a: {  	p0 =	seq.s32 s5, $0x0;
	s5 =	sld [smem:$0x3FB0]  }
0x2b: {  	s6 =	sld [smem:$0x3FB1]  }
0x2c: {  	s7 =	sld [smem:$0x3FB2]  }
0x2d: {  	s3 =	simm.s32 $0x108;
	s8 =	sld [smem:$0x3FB3]  }
0x2e: {  	s3 =	simm.s32 @!p0 $0x1082;
	s9 =	sld [smem:$0x3FB4]  }
0x2f: {  	lr =	sadd.s32 s0, s3;
	s0 =	sld [smem:$0x3FAB]  }
0x30: {  	s3 =	sld [smem:$0x3FAE]  }
0x31: {  	[smem:$0x3FB7] =	sst s10  }
0x32: {  	s10 =	sld [smem:$0x3FB5];
	_ =	sdelay $0x3  }
0x33: {  	p0 =	seq.s32 s10, $0x1;
	s10 =	sld [smem:$0x3FB7];
	_ =	sdelay $0x3  }
0x34: {  	[smem:$0x3FB7] =	sst s10  }
0x35: {  	s10 =	sld [smem:$0x3FB6];
	_ =	sdelay $0x3  }
0x36: {  	p1 =	seq.s32 s10, $0x1;
	s10 =	sld [smem:$0x3FB7];
	_ =	sdelay $0x3  }
0x37: {  	[smem:$0x3FB7] =	sst s10  }
0x38: {  	s10 =	sld [smem:$0x3FB8]  }
0x39: {  	_ = 	snop;
	(pc) =	sbr.ind lr, $3  }
0x3a: {  	_ = 	snop  }
0x3b: {  	_ = 	snop  }
0x3c: {  	p2 =	seq.s32 s10, $0x1;
	s10 =	sld [smem:$0x3FB7]  }
0x3d: {  	_ =	shalt  }
0x3e: {  	_ =	shalt  }
0x3f: {  	_ =	shalt  }
0x40: {  	_ =	shalt  }
0x41: {  	_ =	shalt  }
0x42: {  	_ =	shalt  }
0x43: {  	_ =	shalt  }
0x44: {  	_ =	shalt  }
0x45: {  	_ =	shalt  }
0x46: {  	_ =	shalt  }
0x47: {  	_ =	shalt  }
0x48: {  	_ =	shalt  }
0x49: {  	_ =	shalt  }
0x4a: {  	_ =	shalt  }
0x4b: {  	_ =	shalt  }
0x4c: {  	_ =	shalt  }
0x4d: {  	_ =	shalt  }
0x4e: {  	_ =	shalt  }
0x4f: {  	_ =	shalt  }
0x50: {  	_ =	shalt  }
0x51: {  	_ =	shalt  }
0x52: {  	_ =	shalt  }
0x53: {  	_ =	shalt  }
0x54: {  	_ =	shalt  }
0x55: {  	_ =	shalt  }
0x56: {  	_ =	shalt  }
0x57: {  	_ =	shalt  }
0x58: {  	_ =	shalt  }
0x59: {  	_ =	shalt  }
0x5a: {  	_ =	shalt  }
0x5b: {  	_ =	shalt  }
0x5c: {  	_ =	shalt  }
0x5d: {  	_ =	shalt  }
0x5e: {  	_ =	shalt  }
0x5f: {  	_ =	shalt  }
0x60: {  	_ =	shalt  }
0x61: {  	_ =	shalt  }
0x62: {  	_ =	shalt  }
0x63: {  	_ =	shalt  }
0x64: {  	_ =	shalt  }
0x65: {  	_ =	shalt  }
0x66: {  	_ =	shalt  }
0x67: {  	_ =	shalt  }
0x68: {  	_ =	shalt  }
0x69: {  	_ =	shalt  }
0x6a: {  	_ =	shalt  }
0x6b: {  	_ =	shalt  }
0x6c: {  	_ =	shalt  }
0x6d: {  	_ =	shalt  }
0x6e: {  	_ =	shalt  }
0x6f: {  	_ =	shalt  }
0x70: {  	_ =	shalt  }
0x71: {  	_ =	shalt  }
0x72: {  	_ =	shalt  }
0x73: {  	_ =	shalt  }
0x74: {  	_ =	shalt  }
0x75: {  	_ =	shalt  }
0x76: {  	_ =	shalt  }
0x77: {  	_ =	shalt  }
0x78: {  	_ =	shalt  }
0x79: {  	_ =	shalt  }
0x7a: {  	_ =	shalt  }
0x7b: {  	_ =	shalt  }
0x7c: {  	_ =	shalt  }
0x7d: {  	_ =	shalt  }
0x7e: {  	_ =	shalt  }
0x7f: {  	_ =	shalt  }
0x80: {  	_ =	shalt  }
0x81: {  	_ =	shalt  }
0x82: {  	_ =	shalt  }
0x83: {  	_ =	shalt  }
0x84: {  	_ =	shalt  }
0x85: {  	_ =	shalt  }
0x86: {  	_ =	shalt  }
0x87: {  	_ =	shalt  }
.Lfunc_end0:
.L_simem_size_0:
called_computation.1_lowered:
.L_overlay_start_0:
0x88: {  	s2 =	sld [smem:$0x3FD9]  }
0x89: {  	s3 =	sld [smem:$0x3FFE];
	_ =	sdelay $0x1  }
0x8a: {  	s1 =	srdreg.scid  }
0x8b: {  	s0 =	sand.u32 $0x1, s1  }
0x8c: {  	s14 =	sshll.u32 s0, $0xA;
	s2 =	sadd.s32 s3, s2  }
0x8d: {  	s2 =	sadd.s32 s2, s14  }
0x8e: {  	[smem:$0x3FC3] =	sst s2  }
0x8f: {  	_ = 	snop  }
0x90: {  	s2 =	sld [smem:$0x3FD0];
	_ =	sdelay $0x2  }
0x91: {  	s4 =	simm.s32 $0xA;
	s5 =	simm.s32 $0x10;
	s15 =	sld [smem:$0x3FC8]  }
0x92: {  	[smem:s5], [sflag:s4] =	dma.local [hbm:s2], $0x1  }
0x93: {  	_ =	swait.eq [sflag:s4], $0x1  }
0x94: {  	[sflag:s4] =	ssyncset.done $0x0  }
0x95: {  	[sflag:s4] =	ssyncadd.s32 $0xFFFFFFFF  }
0x96: {  	s16 =	sld [smem:$0x10];
	(tm) =	ssettm $0x1  }
0x97: {  	s17 =	sld [smem:$0x3FFB];
	_ =	sdelay $0x3  }
0x98: {  	_ =	strace s17  }
0x99: {  	s4 =	sld [smem:$0x3FFC];
	_ =	sdelay $0x3  }
0x9a: {  	_ =	strace s4  }
0x9b: {  	s4 =	sld [smem:$0x3FFD];
	_ =	sdelay $0x3  }
0x9c: {  	_ =	strace s4  }
0x9d: {  	_ =	strace $0x8FFFFFFF  }
0x9e: {  	s18 =	sld [smem:$0x3FDB];
	_ =	sdelay $0x1  }
0x9f: {  	s19 =	simm.s32 $_scs_section_size  }
0xa0: {  	s6 =	simm.s32 $_size__tile_overlayer_lowered;
	s7 =	simm.s32 $_tile_overlayer_lowered  }
0xa1: {  	s22 =	simm.s32 $0x1BFF;
	s21 =	sshll.u32 s7, $0x1;
	s4 =	sadd.s32 s19, s18  }
0xa2: {  	s8 =	simm.s32 $0x0;
	s20 =	sshll.u32 s6, $0x1;
	s6 =	sadd.s32 s21, s4  }
0xa3: {  	[timem:s8], [sflag:s22] =	dma.local [hbm:s6], s20  }
0xa4: {  	_ =	swait.ge [sflag:s22], s20  }
0xa5: {  	s5 =	ssub.s32 $0x0, s20;
	[sflag:s22] =	ssyncset.done $0x0  }
0xa6: {  	[sflag:s22] =	ssyncadd.s32 s5;
	_ =	sdelay $0x1  }
0xa7: {  	s23 =	simm.s32 $0x1B8B  }
0xa8: {  	_ =	swait.ge [sflag:s23], $0x1  }
0xa9: {  	[sflag:s23] =	ssyncset.done $0x0  }
0xaa: {  	s25 =	simm.s32 $0x1B8E;
	s24 =	sld [smem:$0x3FFE];
	[sflag:s23] =	ssyncadd.s32 $0xFFFFFFFF  }
0xab: {  	s26 =	simm.s32 $execute0_lowered;
	[smem:$0x3FD2] =	sst s25  }
0xac: {  	s6 =	sshll.u32 s26, $0x1;
	_ =	strace $0x80000049;
	[dreg:$0x1] =	wrdreg $0xFFFFFFFF  }
0xad: {  	s28 =	simm.s32 $_size_execute0_lowered;
	s4 =	sadd.s32 s4, s6;
	[dreg:$0x0] =	wrdreg $0x0  }
0xae: {  	s6 =	sshll.u32 s28, $0x1;
	[dreg:$0x2] =	wrdreg s4  }
0xaf: {  	[dreg:$0x3] =	wrdreg s6  }
0xb0: {  	[dreg:$0x4] =	wrdreg $0xC0  }
0xb1: {  	_ =	task [dreg:s8], $0x5FFFF  }
0xb2: {  	[dreg:$0x1] =	wrdreg $0xFFFFFFFF  }
0xb3: {  	[dreg:$0x0] =	wrdreg $0x60  }
0xb4: {  	[dreg:$0x2] =	wrdreg s15  }
0xb5: {  	[dreg:$0x3] =	wrdreg s24  }
0xb6: {  	[dreg:$0x4] =	wrdreg s16  }
0xb7: {  	[dreg:$0x5] =	wrdreg $0x9  }
0xb8: {  	_ =	task.clear_ibuf [dreg:s8], $0x6FFFF;
	_ =	strace $0x90000049  }
0xb9: {  	s29 =	simm.s32 $0x9;
	_ =	strace $0x8000004B  }
0xba: {  	_ =	swait.ge [sflag:s29], $0x1  }
0xbb: {  	[sflag:s29] =	ssyncadd.s32 $0xFFFFFFFF  }
0xbc: {  	_ =	strace $0x9000004B  }
0xbd: {  	_ =	sfence  }
0xbe: {  	s30 =	sld [smem:$0x0];
	_ =	sdelay $0x2  }
0xbf: {  	s31 =	sshll.u32 s1, $0xD;
	s1 =	sshrl.u32 s1, $0x2  }
0xc0: {  	s3 =	sand.u32 $0x4000, s31;
	s1 =	sadd.s32 s1, s30  }
0xc1: {  	s0 =	sor.u32 s3, s0;
	s1 =	sshll.u32 s1, $0x11  }
0xc2: {  	s0 =	sor.u32 s1, s0  }
0xc3: {  	s0 =	sadd.s32 $0x8F2B, s0  }
0xc4: {  	[sflag:s0] =	ssyncadd.remote.s32 $0x1  }
0xc5: {  	_ =	sfence.sel $0xFFFF  }
0xc6: {  	[dreg:$0x0] =	wrdreg $0xFFFFFFFF;
	(pc) =	sbr.abs _section_cstart, $3  }
0xc7: {  	[dreg:$0x1] =	wrdreg $0xFFFFFFFF  }
0xc8: {  	_ =	task.clear_ibuf [dreg:s8], $0x2FFFF;
	_ =	strace $0x9FFFFFFF  }
0xc9: {  	(tm) =	ssettm $0x7FFFFFFF  }
tec
execute0_lowered:
.L_overlay_start_1:
0x0: {  	(tag) =	ssettag $0x1  }
0x1: {  	s1 =	srdreg.scid;
	s0 =	stileid.u32  }
0x2: {  	s2 =	rddreg [dreg:$0x0];
	s23 =	sand.u32 $0x1, s1;
	s31 =	sshll.u32 s0, $0x1  }
0x3: {  	s4 =	rddreg [dreg:$0x1];
	s24 =	sor.u32 s23, s31  }
0x4: {  	s22 =	rddreg [dreg:$0x2];
	s5 =	smul.u32 $0x78, s24  }
0x5: {  	s3 =	simm.s32 $0x0;
	s1 =	rddreg [dreg:$0x3]  }
0x6: {  	[smem:$0x7FF] =	sst s3;
	s4 =	sadd.s32 s5, s4  }
0x7: {  	_ =	strace $0x8000004A;
	s5 =	sadd.s32 $0x1600, s4;
	s4 =	simm.s32 $0x2  }
0x8: {  	[tilespmem:s3], [sflag:$0x2] =	stream.linear.gather [hbm4b:s5+s3], $0x3C0, $0x38;
	[tilespmem:$0x1E400] =	vst v63  }
0x9: {  	_ =	swait.ge [sflag:s4], $0x3C0  }
0xa: {  	[sflag:s4] =	ssyncset.done $0x0  }
0xb: {  	s6 =	simm.s32 $0x78;
	s7 =	simm.s32 $0x400;
	[sflag:s4] =	ssyncadd.s32 $0xFFFFFC40  }
0xc: {  	[tilespmem:s7], [sflag:$0x1] =	stream.indirect.gather [hbm4b:s2+s6], $0x80, s3, s6, $0xb8;
	[tilespmem:$0x1E400] =	vst v63  }
0xd: {  	s8 =	simm.s32 $0x4000  }
0xe: {  	[tilespmem:s8], [sflag:$0x1] =	stream.indirect.gather [hbm4b:s2+s6], $0x80, s6, s6, $0xb8;
	[tilespmem:$0x1E400] =	vst v63  }
0xf: {  	s9 =	simm.s32 $0xF0;
	s10 =	simm.s32 $0x7C00  }
0x10: {  	[tilespmem:s10], [sflag:$0x1] =	stream.indirect.gather [hbm4b:s2+s6], $0x80, s9, s6, $0xb8;
	[tilespmem:$0x1E400] =	vst v63  }
0x11: {  	s11 =	simm.s32 $0x168;
	s12 =	simm.s32 $0xB800  }
0x12: {  	[tilespmem:s12], [sflag:$0x1] =	stream.indirect.gather [hbm4b:s2+s6], $0x80, s11, s6, $0xb8;
	[tilespmem:$0x1E400] =	vst v63  }
0x13: {  	s13 =	simm.s32 $0x1E0;
	s14 =	simm.s32 $0xF400  }
0x14: {  	[tilespmem:s14], [sflag:$0x1] =	stream.indirect.gather [hbm4b:s2+s6], $0x80, s13, s6, $0xb8;
	[tilespmem:$0x1E400] =	vst v63  }
0x15: {  	s15 =	simm.s32 $0x258;
	s16 =	simm.s32 $0x13000  }
0x16: {  	[tilespmem:s16], [sflag:$0x1] =	stream.indirect.gather [hbm4b:s2+s6], $0x80, s15, s6, $0xb8;
	[tilespmem:$0x1E400] =	vst v63  }
0x17: {  	s17 =	simm.s32 $0x2D0;
	s18 =	simm.s32 $0x16C00  }
0x18: {  	[tilespmem:s18], [sflag:$0x1] =	stream.indirect.gather [hbm4b:s2+s6], $0x80, s17, s6, $0xb8;
	[tilespmem:$0x1E400] =	vst v63  }
0x19: {  	s19 =	simm.s32 $0x348;
	s20 =	simm.s32 $0x1A800;
	s21 =	simm.s32 $0x1  }
0x1a: {  	[tilespmem:s20], [sflag:$0x1] =	stream.indirect.gather [hbm4b:s2+s6], $0x80, s19, s6, $0xb8;
	[tilespmem:$0x1E400] =	vst v63  }
0x1b: {  	_ =	swait.ge [sflag:s21], $0x3C00  }
0x1c: {  	[sflag:s21] =	ssyncset.done $0x0  }
0x1d: {  	[sflag:s21] =	ssyncadd.s32 $0xFFFFC400  }
0x1e: {  	_ =	swait.ge [sflag:s21], $0x3C00  }
0x1f: {  	[sflag:s21] =	ssyncset.done $0x0  }
0x20: {  	[sflag:s21] =	ssyncadd.s32 $0xFFFFC400  }
0x21: {  	_ =	swait.ge [sflag:s21], $0x3C00  }
0x22: {  	[sflag:s21] =	ssyncset.done $0x0  }
0x23: {  	[sflag:s21] =	ssyncadd.s32 $0xFFFFC400  }
0x24: {  	_ =	swait.ge [sflag:s21], $0x3C00  }
0x25: {  	[sflag:s21] =	ssyncset.done $0x0  }
0x26: {  	[sflag:s21] =	ssyncadd.s32 $0xFFFFC400  }
0x27: {  	_ =	swait.ge [sflag:s21], $0x3C00  }
0x28: {  	[sflag:s21] =	ssyncset.done $0x0  }
0x29: {  	[sflag:s21] =	ssyncadd.s32 $0xFFFFC400  }
0x2a: {  	_ =	swait.ge [sflag:s21], $0x3C00  }
0x2b: {  	[sflag:s21] =	ssyncset.done $0x0  }
0x2c: {  	s23 =	ssub.s32 $0x2, s23;
	[sflag:s21] =	ssyncadd.s32 $0xFFFFC400  }
0x2d: {  	s25 =	sshrl.u32 s23, $0x1;
	_ =	swait.ge [sflag:s21], $0x3C00  }
0x2e: {  	s23 =	ssub.s32 s23, s25;
	[sflag:s21] =	ssyncset.done $0x0  }
0x2f: {  	s23 =	smax.u32 s23, $0x1;
	[sflag:s21] =	ssyncadd.s32 $0xFFFFC400  }
0x30: {  	s24 =	smul.u32 $0x3C00, s24;
	p0 =	sne.s32 s23, $0x1;
	_ =	swait.ge [sflag:s21], $0x3C00  }
.Ltmp0:
0x31: {  	[sflag:s21] =	ssyncset.done $0x0;
	(pc) =	sbr.rel @!p0 .LBB2_2-.Ltmp0, $4  }
0x32: {  	s22 =	sadd.s32 s22, s24;
	[sflag:s21] =	ssyncadd.s32 $0xFFFFC400  }
0x33: {  	[hbm4b:s22+s3] =	stream.linear.scatter [tilespmem:s7], [sflag:$0x2], $0x1E000, $0x38;
	[tilespmem:$0x1E400] =	vst v63  }
0x34: {  	_ =	swait.ge [sflag:s4], $0x1E000  }
0x35: {  	s23 =	sadd.s32 $0xFFFFFFFF, s23;
	[sflag:s4] =	ssyncset.done $0x0  }
.LBB2_1:
0x36: {  	p0 =	sne.s32 s23, $0x1;
	s23 =	sadd.s32 $0xFFFFFFFF, s23;
	[sflag:s4] =	ssyncadd.s32 $0xFFFE2000  }
0x37: {  	[tilespmem:s3], [sflag:$0x2] =	stream.linear.gather [hbm4b:s5+s3], $0x3C0, $0x38;
	[tilespmem:$0x1E400] =	vst v63  }
0x38: {  	_ =	swait.ge [sflag:s4], $0x3C0  }
0x39: {  	[sflag:s4] =	ssyncset.done $0x0  }
0x3a: {  	[sflag:s4] =	ssyncadd.s32 $0xFFFFFC40  }
0x3b: {  	[tilespmem:s7], [sflag:$0x1] =	stream.indirect.gather [hbm4b:s2+s6], $0x80, s3, s6, $0xb8;
	[tilespmem:$0x1E400] =	vst v63  }
0x3c: {  	_ = 	snop  }
0x3d: {  	[tilespmem:s8], [sflag:$0x1] =	stream.indirect.gather [hbm4b:s2+s6], $0x80, s6, s6, $0xb8;
	[tilespmem:$0x1E400] =	vst v63  }
0x3e: {  	_ = 	snop  }
0x3f: {  	[tilespmem:s10], [sflag:$0x1] =	stream.indirect.gather [hbm4b:s2+s6], $0x80, s9, s6, $0xb8;
	[tilespmem:$0x1E400] =	vst v63  }
0x40: {  	_ = 	snop  }
0x41: {  	[tilespmem:s12], [sflag:$0x1] =	stream.indirect.gather [hbm4b:s2+s6], $0x80, s11, s6, $0xb8;
	[tilespmem:$0x1E400] =	vst v63  }
0x42: {  	_ = 	snop  }
0x43: {  	[tilespmem:s14], [sflag:$0x1] =	stream.indirect.gather [hbm4b:s2+s6], $0x80, s13, s6, $0xb8;
	[tilespmem:$0x1E400] =	vst v63  }
0x44: {  	_ = 	snop  }
0x45: {  	[tilespmem:s16], [sflag:$0x1] =	stream.indirect.gather [hbm4b:s2+s6], $0x80, s15, s6, $0xb8;
	[tilespmem:$0x1E400] =	vst v63  }
0x46: {  	_ = 	snop  }
0x47: {  	[tilespmem:s18], [sflag:$0x1] =	stream.indirect.gather [hbm4b:s2+s6], $0x80, s17, s6, $0xb8;
	[tilespmem:$0x1E400] =	vst v63  }
0x48: {  	_ = 	snop  }
0x49: {  	[tilespmem:s20], [sflag:$0x1] =	stream.indirect.gather [hbm4b:s2+s6], $0x80, s19, s6, $0xb8;
	[tilespmem:$0x1E400] =	vst v63  }
0x4a: {  	_ =	swait.ge [sflag:s21], $0x3C00  }
0x4b: {  	[sflag:s21] =	ssyncset.done $0x0  }
0x4c: {  	[sflag:s21] =	ssyncadd.s32 $0xFFFFC400  }
0x4d: {  	_ =	swait.ge [sflag:s21], $0x3C00  }
0x4e: {  	[sflag:s21] =	ssyncset.done $0x0  }
0x4f: {  	[sflag:s21] =	ssyncadd.s32 $0xFFFFC400  }
0x50: {  	_ =	swait.ge [sflag:s21], $0x3C00  }
0x51: {  	[sflag:s21] =	ssyncset.done $0x0  }
0x52: {  	[sflag:s21] =	ssyncadd.s32 $0xFFFFC400  }
0x53: {  	_ =	swait.ge [sflag:s21], $0x3C00  }
0x54: {  	[sflag:s21] =	ssyncset.done $0x0  }
0x55: {  	[sflag:s21] =	ssyncadd.s32 $0xFFFFC400  }
0x56: {  	_ =	swait.ge [sflag:s21], $0x3C00  }
0x57: {  	[sflag:s21] =	ssyncset.done $0x0  }
0x58: {  	[sflag:s21] =	ssyncadd.s32 $0xFFFFC400  }
0x59: {  	_ =	swait.ge [sflag:s21], $0x3C00  }
0x5a: {  	[sflag:s21] =	ssyncset.done $0x0  }
0x5b: {  	[sflag:s21] =	ssyncadd.s32 $0xFFFFC400  }
0x5c: {  	_ =	swait.ge [sflag:s21], $0x3C00  }
0x5d: {  	[sflag:s21] =	ssyncset.done $0x0  }
0x5e: {  	[sflag:s21] =	ssyncadd.s32 $0xFFFFC400  }
0x5f: {  	_ =	swait.ge [sflag:s21], $0x3C00  }
.Ltmp1:
0x60: {  	[sflag:s21] =	ssyncset.done $0x0;
	(pc) =	sbr.rel @p0 .LBB2_1-.Ltmp1, $4  }
0x61: {  	[sflag:s21] =	ssyncadd.s32 $0xFFFFC400  }
0x62: {  	[hbm4b:s22+s3] =	stream.linear.scatter [tilespmem:s7], [sflag:$0x2], $0x1E000, $0x38;
	[tilespmem:$0x1E400] =	vst v63  }
0x63: {  	_ =	swait.ge [sflag:s4], $0x1E000  }
0x64: {  	[sflag:s4] =	ssyncset.done $0x0  }
.LBB2_2:
0x65: {  	[sflag:s4] =	ssyncadd.s32 $0xFFFE2000  }
0x66: {  	_ =	sfence.sel $0x180000  }
0x67: {  	[bflag:$0x0] =	sbarrier.arrive $0xFFFF  }
0x68: {  	p0 =	sne.s32 s0, $0x0;
	_ =	strace $0x9000004A  }
0x69: {  	s0 =	sadd.s32 @!p0 $0x100000, s1;
	[bflag:$0x2] =	sbarrier.arrive $0xFFFF  }
0x6a: {  	[sflag:s0] =	ssyncadd.tile.s32 @!p0 $0x1;
	_ =	shalt  }
.Lfunc_end2:
_tile_overlayer_lowered:
.L_overlay_start_2:
0x6b: {  	(tag) =	ssettag $0x2  }
0x6c: {  	s0 =	rddreg [dreg:$0x0];
	s2 =	stileid.u32  }
0x6d: {  	s1 =	rddreg [dreg:$0x1];
	p0 =	sne.s32 s2, $0x0  }
0x6e: {  	s3 =	rddreg [dreg:$0x2];
	[bflag:$0x3] =	sbarrier.arrive $0xFFFF;
	s2 =	simm.s32 @!p0 $0x1C02  }
0x6f: {  	[timem:s3], [sflag:s2] =	dma.local @!p0 [hbm:s0], s1  }
0x70: {  	s0 =	simm.s32 @!p0 $0x2  }
0x71: {  	_ =	swait.ge @!p0 [sflag:s0], s1  }
0x72: {  	s1 =	ssub.s32 @!p0 $0x0, s1;
	[sflag:s0] =	ssyncset.done @!p0 $0x0  }
0x73: {  	[sflag:s0] =	ssyncadd.s32 @!p0 s1  }
0x74: {  	[bflag:$0x3] =	sbarrier.arrive $0xFFFF  }
0x75: {  	_ =	shalt  }

// kernel: kernel.8.cloned.1.call-start
scs
__scs_entry_jumppad:
0x0: {  	(pc) =	sbr.rel $0x88, $3  }
0x1: {  	(tag) =	ssettag $0x0;
	lr =	simm.s32 $0x1  }
0x2: {  	[smem:$0x3F9C] =	sst lr;
	_ =	strace $0xD0000000  }
0x3: {  	_ = 	snop  }
0x4: {  	_ = 	snop  }
0x5: {  	_ = 	snop  }
0x6: {  	_ = 	snop  }
0x7: {  	_ = 	snop  }
__scs_overlays_trampoline_lowered:
0x8: {  	[smem:$0x3FAB] =	sst s0  }
0x9: {  	[smem:$0x3FAC] =	sst s1  }
0xa: {  	[smem:$0x3FAD] =	sst s2  }
0xb: {  	[smem:$0x3FAE] =	sst s3  }
0xc: {  	[smem:$0x3FAF] =	sst s4  }
0xd: {  	[smem:$0x3FB0] =	sst s5  }
0xe: {  	[smem:$0x3FB1] =	sst s6  }
0xf: {  	[smem:$0x3FB2] =	sst s7  }
0x10: {  	[smem:$0x3FB3] =	sst s8  }
0x11: {  	[smem:$0x3FB4] =	sst s9;
	s0 =	simm.s32 @!p0 $0x0  }
0x12: {  	s1 =	sld [smem:$0x3F9A];
	s0 =	simm.s32 @p0 $0x1  }
0x13: {  	[smem:$0x3FB5] =	sst s0;
	s0 =	simm.s32 @!p1 $0x0  }
0x14: {  	s2 =	sld [smem:$0x3F99];
	s0 =	simm.s32 @p1 $0x1  }
0x15: {  	[smem:$0x3FB6] =	sst s0;
	s0 =	simm.s32 @!p2 $0x0  }
0x16: {  	s3 =	sld [smem:$0x3FDB];
	s0 =	simm.s32 @p2 $0x1  }
0x17: {  	s4 =	simm.s32 $0x1BF5;
	[smem:$0x3FB8] =	sst s0  }
0x18: {  	s0 =	sld [smem:$0x3F9B];
	_ =	swait.ge [sflag:s4], $0x0  }
0x19: {  	s7 =	sld [smem:$0x3F9C]  }
0x1a: {  	s8 =	sadd.s32 $0xFFFFE003, lr  }
0x1b: {  	s9 =	sadd.s32 $0xFFFFFEF7, lr;
	s5 =	simm.s32 $0xFFFFFFFF;
	p2 =	slt.u32 s8, $0xFFFFF086  }
0x1c: {  	p1 =	slt.u32 s9, $0xF7A;
	s5 =	simm.s32 @!p2 $0x0  }
0x1d: {  	s5 =	simm.s32 @p1 $0x1;
	p0 =	seq.s32 s7, s2  }
0x1e: {  	s7 =	smul.u32 @!p0 $0xF7A, s2;
	p2 =	seq.s32 @!p0 s5, $0x0  }
0x1f: {  	s9 =	smul.u32 $0xF7A, s1;
	s8 =	simm.s32 @!p0 $0x1BF5;
	p2 =	por !p2, p0  }
0x20: {  	[sflag:s8] =	ssyncset.s32 @!p0 $0xFFFFF086;
	s6 =	sadd.s32 @!p0 s3, s7;
	s7 =	simm.s32 @!p0 $0x108  }
0x21: {  	s3 =	sadd.s32 s3, s9;
	s6 =	sadd.s32 @!p0 $0x88, s6;
	s7 =	simm.s32 @p2 $0x1082  }
0x22: {  	[simem:s7], [sflag:s8] =	dma.local @!p0 [hbm:s6], $0xF7A  }
0x23: {  	s9 =	sor.u32 $0xD0000000, s2;
	s6 =	simm.s32 $0x108;
	_ =	swait.ge @!p0 [sflag:s8], $0x0  }
0x24: {  	s3 =	sadd.s32 $0x88, s3;
	s6 =	simm.s32 @!p1 $0x1082;
	[sflag:s4] =	ssyncset.s32 $0xFFFFF086  }
0x25: {  	[simem:s6], [sflag:s4] =	dma.local [hbm:s3], $0xF7A  }
0x26: {  	[smem:$0x3F9C] =	sst s1;
	(tag) =	ssettag s2;
	_ =	strace s9  }
0x27: {  	s1 =	sld [smem:$0x3FAC]  }
0x28: {  	s2 =	sld [smem:$0x3FAD]  }
0x29: {  	s4 =	sld [smem:$0x3FAF]  }
0x2a: {  	p0 =	seq.s32 s5, $0x0;
	s5 =	sld [smem:$0x3FB0]  }
0x2b: {  	s6 =	sld [smem:$0x3FB1]  }
0x2c: {  	s7 =	sld [smem:$0x3FB2]  }
0x2d: {  	s3 =	simm.s32 $0x108;
	s8 =	sld [smem:$0x3FB3]  }
0x2e: {  	s3 =	simm.s32 @!p0 $0x1082;
	s9 =	sld [smem:$0x3FB4]  }
0x2f: {  	lr =	sadd.s32 s0, s3;
	s0 =	sld [smem:$0x3FAB]  }
0x30: {  	s3 =	sld [smem:$0x3FAE]  }
0x31: {  	[smem:$0x3FB7] =	sst s10  }
0x32: {  	s10 =	sld [smem:$0x3FB5];
	_ =	sdelay $0x3  }
0x33: {  	p0 =	seq.s32 s10, $0x1;
	s10 =	sld [smem:$0x3FB7];
	_ =	sdelay $0x3  }
0x34: {  	[smem:$0x3FB7] =	sst s10  }
0x35: {  	s10 =	sld [smem:$0x3FB6];
	_ =	sdelay $0x3  }
0x36: {  	p1 =	seq.s32 s10, $0x1;
	s10 =	sld [smem:$0x3FB7];
	_ =	sdelay $0x3  }
0x37: {  	[smem:$0x3FB7] =	sst s10  }
0x38: {  	s10 =	sld [smem:$0x3FB8]  }
0x39: {  	_ = 	snop;
	(pc) =	sbr.ind lr, $3  }
0x3a: {  	_ = 	snop  }
0x3b: {  	_ = 	snop  }
0x3c: {  	p2 =	seq.s32 s10, $0x1;
	s10 =	sld [smem:$0x3FB7]  }
0x3d: {  	_ =	shalt  }
0x3e: {  	_ =	shalt  }
0x3f: {  	_ =	shalt  }
0x40: {  	_ =	shalt  }
0x41: {  	_ =	shalt  }
0x42: {  	_ =	shalt  }
0x43: {  	_ =	shalt  }
0x44: {  	_ =	shalt  }
0x45: {  	_ =	shalt  }
0x46: {  	_ =	shalt  }
0x47: {  	_ =	shalt  }
0x48: {  	_ =	shalt  }
0x49: {  	_ =	shalt  }
0x4a: {  	_ =	shalt  }
0x4b: {  	_ =	shalt  }
0x4c: {  	_ =	shalt  }
0x4d: {  	_ =	shalt  }
0x4e: {  	_ =	shalt  }
0x4f: {  	_ =	shalt  }
0x50: {  	_ =	shalt  }
0x51: {  	_ =	shalt  }
0x52: {  	_ =	shalt  }
0x53: {  	_ =	shalt  }
0x54: {  	_ =	shalt  }
0x55: {  	_ =	shalt  }
0x56: {  	_ =	shalt  }
0x57: {  	_ =	shalt  }
0x58: {  	_ =	shalt  }
0x59: {  	_ =	shalt  }
0x5a: {  	_ =	shalt  }
0x5b: {  	_ =	shalt  }
0x5c: {  	_ =	shalt  }
0x5d: {  	_ =	shalt  }
0x5e: {  	_ =	shalt  }
0x5f: {  	_ =	shalt  }
0x60: {  	_ =	shalt  }
0x61: {  	_ =	shalt  }
0x62: {  	_ =	shalt  }
0x63: {  	_ =	shalt  }
0x64: {  	_ =	shalt  }
0x65: {  	_ =	shalt  }
0x66: {  	_ =	shalt  }
0x67: {  	_ =	shalt  }
0x68: {  	_ =	shalt  }
0x69: {  	_ =	shalt  }
0x6a: {  	_ =	shalt  }
0x6b: {  	_ =	shalt  }
0x6c: {  	_ =	shalt  }
0x6d: {  	_ =	shalt  }
0x6e: {  	_ =	shalt  }
0x6f: {  	_ =	shalt  }
0x70: {  	_ =	shalt  }
0x71: {  	_ =	shalt  }
0x72: {  	_ =	shalt  }
0x73: {  	_ =	shalt  }
0x74: {  	_ =	shalt  }
0x75: {  	_ =	shalt  }
0x76: {  	_ =	shalt  }
0x77: {  	_ =	shalt  }
0x78: {  	_ =	shalt  }
0x79: {  	_ =	shalt  }
0x7a: {  	_ =	shalt  }
0x7b: {  	_ =	shalt  }
0x7c: {  	_ =	shalt  }
0x7d: {  	_ =	shalt  }
0x7e: {  	_ =	shalt  }
0x7f: {  	_ =	shalt  }
0x80: {  	_ =	shalt  }
0x81: {  	_ =	shalt  }
0x82: {  	_ =	shalt  }
0x83: {  	_ =	shalt  }
0x84: {  	_ =	shalt  }
0x85: {  	_ =	shalt  }
0x86: {  	_ =	shalt  }
0x87: {  	_ =	shalt  }
.Lfunc_end0:
.L_simem_size_0:
called_computation_lowered:
.L_overlay_start_0:
0x88: {  	s2 =	sld [smem:$0x3FD9]  }
0x89: {  	s3 =	sld [smem:$0x3FFE];
	_ =	sdelay $0x1  }
0x8a: {  	s1 =	srdreg.scid  }
0x8b: {  	s0 =	sand.u32 $0x1, s1  }
0x8c: {  	s14 =	sshll.u32 s0, $0xA;
	s2 =	sadd.s32 s3, s2  }
0x8d: {  	s2 =	sadd.s32 s2, s14  }
0x8e: {  	[smem:$0x3FC3] =	sst s2  }
0x8f: {  	_ = 	snop  }
0x90: {  	s2 =	sld [smem:$0x3FD0];
	_ =	sdelay $0x2  }
0x91: {  	s15 =	simm.s32 $0xA;
	s4 =	simm.s32 $0x10  }
0x92: {  	[smem:s4], [sflag:s15] =	dma.local [hbm:s2], $0x1  }
0x93: {  	_ =	swait.eq [sflag:s15], $0x1  }
0x94: {  	[sflag:s15] =	ssyncset.done $0x0  }
0x95: {  	s16 =	sld [smem:$0x10];
	[sflag:s15] =	ssyncadd.s32 $0xFFFFFFFF  }
0x96: {  	s17 =	sld [smem:$0x11];
	(tm) =	ssettm $0x1  }
0x97: {  	s18 =	sld [smem:$0x3FFB];
	_ =	sdelay $0x3  }
0x98: {  	_ =	strace s18  }
0x99: {  	s4 =	sld [smem:$0x3FFC];
	_ =	sdelay $0x3  }
0x9a: {  	_ =	strace s4  }
0x9b: {  	s4 =	sld [smem:$0x3FFD];
	_ =	sdelay $0x3  }
0x9c: {  	_ =	strace s4  }
0x9d: {  	_ =	strace $0x8FFFFFFF  }
0x9e: {  	s19 =	sld [smem:$0x3FDB];
	_ =	sdelay $0x1  }
0x9f: {  	s5 =	simm.s32 $_scs_section_size  }
0xa0: {  	s6 =	simm.s32 $_size__tile_overlayer_lowered;
	s7 =	simm.s32 $_tile_overlayer_lowered  }
0xa1: {  	s22 =	simm.s32 $0x1BFF;
	s21 =	sshll.u32 s7, $0x1;
	s4 =	sadd.s32 s5, s19  }
0xa2: {  	s8 =	simm.s32 $0x0;
	s20 =	sshll.u32 s6, $0x1;
	s6 =	sadd.s32 s21, s4  }
0xa3: {  	[timem:s8], [sflag:s22] =	dma.local [hbm:s6], s20  }
0xa4: {  	_ =	swait.ge [sflag:s22], s20  }
0xa5: {  	s5 =	ssub.s32 $0x0, s20;
	[sflag:s22] =	ssyncset.done $0x0  }
0xa6: {  	[sflag:s22] =	ssyncadd.s32 s5;
	_ =	sdelay $0x1  }
0xa7: {  	s23 =	simm.s32 $0x1B8B  }
0xa8: {  	_ =	swait.ge [sflag:s23], $0x1  }
0xa9: {  	[sflag:s23] =	ssyncset.done $0x0  }
0xaa: {  	s25 =	simm.s32 $0x1B8E;
	s24 =	sld [smem:$0x3FFE];
	[sflag:s23] =	ssyncadd.s32 $0xFFFFFFFF  }
0xab: {  	s26 =	simm.s32 $execute0_lowered;
	[smem:$0x3FD2] =	sst s25  }
0xac: {  	s6 =	sshll.u32 s26, $0x1;
	_ =	strace $0x80000046;
	[dreg:$0x1] =	wrdreg $0xFFFFFFFF  }
0xad: {  	s28 =	simm.s32 $_size_execute0_lowered;
	s4 =	sadd.s32 s4, s6;
	[dreg:$0x0] =	wrdreg $0x0  }
0xae: {  	s6 =	sshll.u32 s28, $0x1;
	[dreg:$0x2] =	wrdreg s4  }
0xaf: {  	[dreg:$0x3] =	wrdreg s6  }
0xb0: {  	[dreg:$0x4] =	wrdreg $0xC0  }
0xb1: {  	_ =	task [dreg:s8], $0x5FFFF  }
0xb2: {  	[dreg:$0x1] =	wrdreg $0xFFFFFFFF  }
0xb3: {  	[dreg:$0x0] =	wrdreg $0x60  }
0xb4: {  	[dreg:$0x2] =	wrdreg s24  }
0xb5: {  	[dreg:$0x3] =	wrdreg s17  }
0xb6: {  	[dreg:$0x4] =	wrdreg s16  }
0xb7: {  	[dreg:$0x5] =	wrdreg $0x9  }
0xb8: {  	_ =	task.clear_ibuf [dreg:s8], $0x6FFFF;
	_ =	strace $0x90000046  }
0xb9: {  	s29 =	simm.s32 $0x9;
	_ =	strace $0x80000048  }
0xba: {  	_ =	swait.ge [sflag:s29], $0x1  }
0xbb: {  	[sflag:s29] =	ssyncadd.s32 $0xFFFFFFFF  }
0xbc: {  	_ =	strace $0x90000048  }
0xbd: {  	_ =	sfence  }
0xbe: {  	s30 =	sld [smem:$0x0];
	_ =	sdelay $0x2  }
0xbf: {  	s31 =	sshll.u32 s1, $0xD;
	s1 =	sshrl.u32 s1, $0x2  }
0xc0: {  	s3 =	sand.u32 $0x4000, s31;
	s1 =	sadd.s32 s1, s30  }
0xc1: {  	s0 =	sor.u32 s3, s0;
	s1 =	sshll.u32 s1, $0x11  }
0xc2: {  	s0 =	sor.u32 s1, s0  }
0xc3: {  	s0 =	sadd.s32 $0x8F2B, s0  }
0xc4: {  	[sflag:s0] =	ssyncadd.remote.s32 $0x1  }
0xc5: {  	_ =	sfence.sel $0xFFFF  }
0xc6: {  	[dreg:$0x0] =	wrdreg $0xFFFFFFFF;
	(pc) =	sbr.abs _section_cstart, $3  }
0xc7: {  	[dreg:$0x1] =	wrdreg $0xFFFFFFFF  }
0xc8: {  	_ =	task.clear_ibuf [dreg:s8], $0x2FFFF;
	_ =	strace $0x9FFFFFFF  }
0xc9: {  	(tm) =	ssettm $0x7FFFFFFF  }
tec
execute0_lowered:
.L_overlay_start_1:
0x0: {  	(tag) =	ssettag $0x1  }
0x1: {  	s5 =	rddreg [dreg:$0x0]  }
0x2: {  	s1 =	srdreg.scid;
	s0 =	stileid.u32  }
0x3: {  	s3 =	rddreg [dreg:$0x1];
	s23 =	sand.u32 $0x1, s1;
	s31 =	sshll.u32 s0, $0x1  }
0x4: {  	s22 =	rddreg [dreg:$0x2];
	s24 =	sor.u32 s23, s31  }
0x5: {  	s2 =	simm.s32 $0x0;
	s1 =	rddreg [dreg:$0x3];
	s4 =	smul.u32 $0x78, s24  }
0x6: {  	[smem:$0x7FF] =	sst s2  }
0x7: {  	_ =	strace $0x80000047;
	s4 =	sadd.s32 s3, s4;
	s3 =	simm.s32 $0x2  }
0x8: {  	[tilespmem:s2], [sflag:$0x2] =	stream.linear.gather [hbm4b:s4+s2], $0x3C0, $0x38;
	[tilespmem:$0x1E400] =	vst v63  }
0x9: {  	_ =	swait.ge [sflag:s3], $0x3C0  }
0xa: {  	s6 =	simm.s32 $0x78;
	[sflag:s3] =	ssyncset.done $0x0  }
0xb: {  	s7 =	simm.s32 $0x400;
	s5 =	sadd.s32 $0xC39600, s5;
	[sflag:s3] =	ssyncadd.s32 $0xFFFFFC40  }
0xc: {  	[tilespmem:s7], [sflag:$0x1] =	stream.indirect.gather [hbm4b:s5+s6], $0x80, s2, s6, $0xb8;
	[tilespmem:$0x1E400] =	vst v63  }
0xd: {  	s8 =	simm.s32 $0x4000  }
0xe: {  	[tilespmem:s8], [sflag:$0x1] =	stream.indirect.gather [hbm4b:s5+s6], $0x80, s6, s6, $0xb8;
	[tilespmem:$0x1E400] =	vst v63  }
0xf: {  	s9 =	simm.s32 $0xF0;
	s10 =	simm.s32 $0x7C00  }
0x10: {  	[tilespmem:s10], [sflag:$0x1] =	stream.indirect.gather [hbm4b:s5+s6], $0x80, s9, s6, $0xb8;
	[tilespmem:$0x1E400] =	vst v63  }
0x11: {  	s11 =	simm.s32 $0x168;
	s12 =	simm.s32 $0xB800  }
0x12: {  	[tilespmem:s12], [sflag:$0x1] =	stream.indirect.gather [hbm4b:s5+s6], $0x80, s11, s6, $0xb8;
	[tilespmem:$0x1E400] =	vst v63  }
0x13: {  	s13 =	simm.s32 $0x1E0;
	s14 =	simm.s32 $0xF400  }
0x14: {  	[tilespmem:s14], [sflag:$0x1] =	stream.indirect.gather [hbm4b:s5+s6], $0x80, s13, s6, $0xb8;
	[tilespmem:$0x1E400] =	vst v63  }
0x15: {  	s15 =	simm.s32 $0x258;
	s16 =	simm.s32 $0x13000  }
0x16: {  	[tilespmem:s16], [sflag:$0x1] =	stream.indirect.gather [hbm4b:s5+s6], $0x80, s15, s6, $0xb8;
	[tilespmem:$0x1E400] =	vst v63  }
0x17: {  	s17 =	simm.s32 $0x2D0;
	s18 =	simm.s32 $0x16C00  }
0x18: {  	[tilespmem:s18], [sflag:$0x1] =	stream.indirect.gather [hbm4b:s5+s6], $0x80, s17, s6, $0xb8;
	[tilespmem:$0x1E400] =	vst v63  }
0x19: {  	s19 =	simm.s32 $0x348;
	s20 =	simm.s32 $0x1A800;
	s21 =	simm.s32 $0x1  }
0x1a: {  	[tilespmem:s20], [sflag:$0x1] =	stream.indirect.gather [hbm4b:s5+s6], $0x80, s19, s6, $0xb8;
	[tilespmem:$0x1E400] =	vst v63  }
0x1b: {  	_ =	swait.ge [sflag:s21], $0x3C00  }
0x1c: {  	[sflag:s21] =	ssyncset.done $0x0  }
0x1d: {  	[sflag:s21] =	ssyncadd.s32 $0xFFFFC400  }
0x1e: {  	_ =	swait.ge [sflag:s21], $0x3C00  }
0x1f: {  	[sflag:s21] =	ssyncset.done $0x0  }
0x20: {  	[sflag:s21] =	ssyncadd.s32 $0xFFFFC400  }
0x21: {  	_ =	swait.ge [sflag:s21], $0x3C00  }
0x22: {  	[sflag:s21] =	ssyncset.done $0x0  }
0x23: {  	[sflag:s21] =	ssyncadd.s32 $0xFFFFC400  }
0x24: {  	_ =	swait.ge [sflag:s21], $0x3C00  }
0x25: {  	[sflag:s21] =	ssyncset.done $0x0  }
0x26: {  	[sflag:s21] =	ssyncadd.s32 $0xFFFFC400  }
0x27: {  	_ =	swait.ge [sflag:s21], $0x3C00  }
0x28: {  	[sflag:s21] =	ssyncset.done $0x0  }
0x29: {  	[sflag:s21] =	ssyncadd.s32 $0xFFFFC400  }
0x2a: {  	_ =	swait.ge [sflag:s21], $0x3C00  }
0x2b: {  	[sflag:s21] =	ssyncset.done $0x0  }
0x2c: {  	s23 =	ssub.s32 $0x2, s23;
	[sflag:s21] =	ssyncadd.s32 $0xFFFFC400  }
0x2d: {  	s25 =	sshrl.u32 s23, $0x1;
	_ =	swait.ge [sflag:s21], $0x3C00  }
0x2e: {  	s23 =	ssub.s32 s23, s25;
	[sflag:s21] =	ssyncset.done $0x0  }
0x2f: {  	s23 =	smax.u32 s23, $0x1;
	[sflag:s21] =	ssyncadd.s32 $0xFFFFC400  }
0x30: {  	s24 =	smul.u32 $0x3C00, s24;
	p0 =	sne.s32 s23, $0x1;
	_ =	swait.ge [sflag:s21], $0x3C00  }
.Ltmp0:
0x31: {  	[sflag:s21] =	ssyncset.done $0x0;
	(pc) =	sbr.rel @!p0 .LBB2_2-.Ltmp0, $4  }
0x32: {  	s22 =	sadd.s32 s22, s24;
	[sflag:s21] =	ssyncadd.s32 $0xFFFFC400  }
0x33: {  	[hbm4b:s22+s2] =	stream.linear.scatter [tilespmem:s7], [sflag:$0x2], $0x1E000, $0x38;
	[tilespmem:$0x1E400] =	vst v63  }
0x34: {  	_ =	swait.ge [sflag:s3], $0x1E000  }
0x35: {  	s23 =	sadd.s32 $0xFFFFFFFF, s23;
	[sflag:s3] =	ssyncset.done $0x0  }
.LBB2_1:
0x36: {  	p0 =	sne.s32 s23, $0x1;
	s23 =	sadd.s32 $0xFFFFFFFF, s23;
	[sflag:s3] =	ssyncadd.s32 $0xFFFE2000  }
0x37: {  	[tilespmem:s2], [sflag:$0x2] =	stream.linear.gather [hbm4b:s4+s2], $0x3C0, $0x38;
	[tilespmem:$0x1E400] =	vst v63  }
0x38: {  	_ =	swait.ge [sflag:s3], $0x3C0  }
0x39: {  	[sflag:s3] =	ssyncset.done $0x0  }
0x3a: {  	[sflag:s3] =	ssyncadd.s32 $0xFFFFFC40  }
0x3b: {  	[tilespmem:s7], [sflag:$0x1] =	stream.indirect.gather [hbm4b:s5+s6], $0x80, s2, s6, $0xb8;
	[tilespmem:$0x1E400] =	vst v63  }
0x3c: {  	_ = 	snop  }
0x3d: {  	[tilespmem:s8], [sflag:$0x1] =	stream.indirect.gather [hbm4b:s5+s6], $0x80, s6, s6, $0xb8;
	[tilespmem:$0x1E400] =	vst v63  }
0x3e: {  	_ = 	snop  }
0x3f: {  	[tilespmem:s10], [sflag:$0x1] =	stream.indirect.gather [hbm4b:s5+s6], $0x80, s9, s6, $0xb8;
	[tilespmem:$0x1E400] =	vst v63  }
0x40: {  	_ = 	snop  }
0x41: {  	[tilespmem:s12], [sflag:$0x1] =	stream.indirect.gather [hbm4b:s5+s6], $0x80, s11, s6, $0xb8;
	[tilespmem:$0x1E400] =	vst v63  }
0x42: {  	_ = 	snop  }
0x43: {  	[tilespmem:s14], [sflag:$0x1] =	stream.indirect.gather [hbm4b:s5+s6], $0x80, s13, s6, $0xb8;
	[tilespmem:$0x1E400] =	vst v63  }
0x44: {  	_ = 	snop  }
0x45: {  	[tilespmem:s16], [sflag:$0x1] =	stream.indirect.gather [hbm4b:s5+s6], $0x80, s15, s6, $0xb8;
	[tilespmem:$0x1E400] =	vst v63  }
0x46: {  	_ = 	snop  }
0x47: {  	[tilespmem:s18], [sflag:$0x1] =	stream.indirect.gather [hbm4b:s5+s6], $0x80, s17, s6, $0xb8;
	[tilespmem:$0x1E400] =	vst v63  }
0x48: {  	_ = 	snop  }
0x49: {  	[tilespmem:s20], [sflag:$0x1] =	stream.indirect.gather [hbm4b:s5+s6], $0x80, s19, s6, $0xb8;
	[tilespmem:$0x1E400] =	vst v63  }
0x4a: {  	_ =	swait.ge [sflag:s21], $0x3C00  }
0x4b: {  	[sflag:s21] =	ssyncset.done $0x0  }
0x4c: {  	[sflag:s21] =	ssyncadd.s32 $0xFFFFC400  }
0x4d: {  	_ =	swait.ge [sflag:s21], $0x3C00  }
0x4e: {  	[sflag:s21] =	ssyncset.done $0x0  }
0x4f: {  	[sflag:s21] =	ssyncadd.s32 $0xFFFFC400  }
0x50: {  	_ =	swait.ge [sflag:s21], $0x3C00  }
0x51: {  	[sflag:s21] =	ssyncset.done $0x0  }
0x52: {  	[sflag:s21] =	ssyncadd.s32 $0xFFFFC400  }
0x53: {  	_ =	swait.ge [sflag:s21], $0x3C00  }
0x54: {  	[sflag:s21] =	ssyncset.done $0x0  }
0x55: {  	[sflag:s21] =	ssyncadd.s32 $0xFFFFC400  }
0x56: {  	_ =	swait.ge [sflag:s21], $0x3C00  }
0x57: {  	[sflag:s21] =	ssyncset.done $0x0  }
0x58: {  	[sflag:s21] =	ssyncadd.s32 $0xFFFFC400  }
0x59: {  	_ =	swait.ge [sflag:s21], $0x3C00  }
0x5a: {  	[sflag:s21] =	ssyncset.done $0x0  }
0x5b: {  	[sflag:s21] =	ssyncadd.s32 $0xFFFFC400  }
0x5c: {  	_ =	swait.ge [sflag:s21], $0x3C00  }
0x5d: {  	[sflag:s21] =	ssyncset.done $0x0  }
0x5e: {  	[sflag:s21] =	ssyncadd.s32 $0xFFFFC400  }
0x5f: {  	_ =	swait.ge [sflag:s21], $0x3C00  }
.Ltmp1:
0x60: {  	[sflag:s21] =	ssyncset.done $0x0;
	(pc) =	sbr.rel @p0 .LBB2_1-.Ltmp1, $4  }
0x61: {  	[sflag:s21] =	ssyncadd.s32 $0xFFFFC400  }
0x62: {  	[hbm4b:s22+s2] =	stream.linear.scatter [tilespmem:s7], [sflag:$0x2], $0x1E000, $0x38;
	[tilespmem:$0x1E400] =	vst v63  }
0x63: {  	_ =	swait.ge [sflag:s3], $0x1E000  }
0x64: {  	[sflag:s3] =	ssyncset.done $0x0  }
.LBB2_2:
0x65: {  	[sflag:s3] =	ssyncadd.s32 $0xFFFE2000  }
0x66: {  	_ =	sfence.sel $0x180000  }
0x67: {  	[bflag:$0x0] =	sbarrier.arrive $0xFFFF  }
0x68: {  	p0 =	sne.s32 s0, $0x0;
	_ =	strace $0x90000047  }
0x69: {  	s0 =	sadd.s32 @!p0 $0x100000, s1;
	[bflag:$0x2] =	sbarrier.arrive $0xFFFF  }
0x6a: {  	[sflag:s0] =	ssyncadd.tile.s32 @!p0 $0x1;
	_ =	shalt  }
.Lfunc_end2:
_tile_overlayer_lowered:
.L_overlay_start_2:
0x6b: {  	(tag) =	ssettag $0x2  }
0x6c: {  	s0 =	rddreg [dreg:$0x0];
	s2 =	stileid.u32  }
0x6d: {  	s1 =	rddreg [dreg:$0x1];
	p0 =	sne.s32 s2, $0x0  }
0x6e: {  	s3 =	rddreg [dreg:$0x2];
	[bflag:$0x3] =	sbarrier.arrive $0xFFFF;
	s2 =	simm.s32 @!p0 $0x1C02  }
0x6f: {  	[timem:s3], [sflag:s2] =	dma.local @!p0 [hbm:s0], s1  }
0x70: {  	s0 =	simm.s32 @!p0 $0x2  }
0x71: {  	_ =	swait.ge @!p0 [sflag:s0], s1  }
0x72: {  	s1 =	ssub.s32 @!p0 $0x0, s1;
	[sflag:s0] =	ssyncset.done @!p0 $0x0  }
0x73: {  	[sflag:s0] =	ssyncadd.s32 @!p0 s1  }
0x74: {  	[bflag:$0x3] =	sbarrier.arrive $0xFFFF  }
0x75: {  	_ =	shalt  }

</sc_bundles>
